<compile_context>
chip_gen: v7x
topology: tpu7x:2x2x1
jax: 0.10.2.dev20260603
libtpu: 0.0.44.dev20260713+nightly
codegen_flags: <defaults>
</compile_context>

<pallas_src>
import functools

import jax
import jax.numpy as jnp
from jax import lax
from jax.experimental import pallas as pl
from jax.experimental.pallas import tpu as pltpu
from jax.experimental.pallas import tpu_sc as plsc

_D = 256
_K = 8192
_TOKENS = 8192
_TBLK = 512
_NW = 32
_BPW = _TOKENS // _NW
_IDX_CHUNK = 128


_KC = 128
_DCH = 1024


def _argmin_body(z_ref, w_ref, z2h_ref, w2h_ref, idx_ref, loss_ref,
                 wtb_ref, acc_ref):
    i = pl.program_id(0)

    @pl.when(i == 0)
    def _():
        wtb_ref[...] = w_ref[...].T

    zb = z_ref[...]
    z2h = z2h_ref[...]
    w2h = w2h_ref[...]
    run_v = jnp.full((_TBLK, _KC), jnp.inf, jnp.float32)
    run_c = jnp.zeros((_TBLK, _KC), jnp.int32)
    for dc in range(_K // _DCH):
        mm = jnp.dot(zb, wtb_ref[:, dc * _DCH:(dc + 1) * _DCH],
                     preferred_element_type=jnp.float32)
        for s in range(_DCH // _KC):
            c = dc * (_DCH // _KC) + s
            d = ((z2h - mm[:, s * _KC:(s + 1) * _KC])
                 + w2h[c * _KC:(c + 1) * _KC][None, :])
            lt = d < run_v
            run_v = jnp.where(lt, d, run_v)
            run_c = jnp.where(lt, jnp.int32(c), run_c)
    minv = jnp.min(run_v, axis=1, keepdims=True)
    lane = lax.broadcasted_iota(jnp.int32, (_TBLK, _KC), 1)
    gidx = run_c * _KC + lane
    idx_ref[...] = jnp.min(jnp.where(run_v == minv, gidx, jnp.int32(_K)),
                           axis=1)

    s = jnp.sum(minv)

    @pl.when(i == 0)
    def _():
        acc_ref[0, 0] = s

    @pl.when(i > 0)
    def _():
        acc_ref[0, 0] = acc_ref[0, 0] + s

    @pl.when(i == pl.num_programs(0) - 1)
    def _():
        e = acc_ref[0, 0] * (2.0 / float(_TOKENS * _D))
        loss_ref[0, 0] = e + 0.25 * e


def _argmin_call(zf, W, z2h, w2h):
    return pl.pallas_call(
        _argmin_body,
        grid=(_TOKENS // _TBLK,),
        in_specs=[
            pl.BlockSpec((_TBLK, _D), lambda i: (i, 0)),
            pl.BlockSpec((_K, _D), lambda i: (0, 0)),
            pl.BlockSpec((_TBLK, 1), lambda i: (i, 0)),
            pl.BlockSpec((_K,), lambda i: (0,)),
        ],
        out_specs=[
            pl.BlockSpec((_TBLK,), lambda i: (i,)),
            pl.BlockSpec(memory_space=pltpu.SMEM),
        ],
        out_shape=[
            jax.ShapeDtypeStruct((_TOKENS,), jnp.int32),
            jax.ShapeDtypeStruct((1, 1), jnp.float32),
        ],
        scratch_shapes=[
            pltpu.VMEM((_D, _K), jnp.float32),
            pltpu.SMEM((1, 1), jnp.float32),
        ],
    )(zf, W, z2h, w2h)


def _sc_gather_body(w_hbm, idx_hbm, out_hbm, idx_v, rows_v, sem):
    wid = lax.axis_index("s") * 2 + lax.axis_index("c")
    pltpu.sync_copy(idx_hbm.at[wid], idx_v)
    copies = [
        pltpu.async_copy(w_hbm.at[idx_v.at[j]],
                         rows_v.at[pl.ds(j * _IDX_CHUNK, _IDX_CHUNK)], sem)
        for j in range(_BPW // _IDX_CHUNK)
    ]
    for cp in copies:
        cp.wait()
    pltpu.sync_copy(rows_v, out_hbm.at[pl.ds(wid * _BPW, _BPW)])


@functools.cache
def _sc_gather_kernel():
    mesh = plsc.VectorSubcoreMesh(core_axis_name="c", subcore_axis_name="s")
    return pl.kernel(
        _sc_gather_body,
        mesh=mesh,
        out_type=jax.ShapeDtypeStruct((_TOKENS, _D), jnp.float32),
        scratch_types=[
            pltpu.VMEM((_BPW // _IDX_CHUNK, _IDX_CHUNK), jnp.int32),
            pltpu.VMEM((_BPW, _D), jnp.float32),
            pltpu.SemaphoreType.DMA,
        ],
    )


def kernel(z, W):
    zf = z.reshape(_TOKENS, _D)
    z2h = 0.5 * jnp.sum(zf ** 2, axis=1, keepdims=True)
    w2h = 0.5 * jnp.sum(W ** 2, axis=1)
    idx, loss = _argmin_call(zf, W, z2h, w2h)
    q = _sc_gather_kernel()(W, idx.reshape(_NW, _BPW // _IDX_CHUNK, _IDX_CHUNK))
    return q.reshape(z.shape), loss.reshape(())

# --- scband reference (transcript-rebuilt; emitter-appended) ---
"""Pipeline reference for scband-vector-quantizer-1151051235449 (READ-ONLY COPY).

The authoritative reference and input builder live on the scoring server;
editing this copy changes nothing except your own understanding.
"""

import jax, jax.numpy as jnp
import numpy as np

NUM_EMBEDDINGS = 8192
EMBEDDING_DIM = 256
COMMITMENT_COST = 0.25


def setup_inputs(seed: int = 0) -> dict:
    key = jax.random.key(seed)
    k1, k2 = jax.random.split(key)
    z = jax.random.normal(k1, (8, 1024, EMBEDDING_DIM), dtype=jnp.float32)
    W = jax.random.uniform(k2, (NUM_EMBEDDINGS, EMBEDDING_DIM),
                           minval=-1.0 / NUM_EMBEDDINGS,
                           maxval=1.0 / NUM_EMBEDDINGS,
                           dtype=jnp.float32)
    return {"z": z, "W": W}


def reference(z, W):
    D = W.shape[1]
    flat_z = z.reshape(-1, D)
    dists = (jnp.sum(flat_z ** 2, axis=1, keepdims=True)
             - 2.0 * flat_z @ W.T
             + jnp.sum(W ** 2, axis=1))
    indices = jnp.argmin(dists, axis=1)
    quantized = jnp.take(W, indices, axis=0).reshape(z.shape)
    e_loss = jnp.mean((jax.lax.stop_gradient(quantized) - z) ** 2)
    q_loss = jnp.mean((quantized - jax.lax.stop_gradient(z)) ** 2)
    loss = q_loss + COMMITMENT_COST * e_loss
    quantized_out = z + jax.lax.stop_gradient(quantized - z)
    return (quantized_out, loss)

if __name__ == "__main__":
    import jax
    _d = setup_inputs()
    print(jax.jit(kernel)(*tuple(_d.values())))

</pallas_src>

<mosaic_0001>
#map = affine_map<(d0, d1) -> (0, 0)>
#map1 = affine_map<(d0, d1) -> (0, 0, 0)>
module attributes {stable_mosaic.version = 14 : i64} {
  func.func @_sc_gather_body(%arg0: i32, %arg1: i32, %arg2: memref<8192x256xf32, #tpu.memory_space<hbm>>, %arg3: memref<32x2x128xi32, #tpu.memory_space<hbm>>, %arg4: memref<8192x256xf32, #tpu.memory_space<hbm>>, %arg5: memref<2x128xi32, #tpu.memory_space<vmem>>, %arg6: memref<256x256xf32, #tpu.memory_space<vmem>>, %arg7: memref<!tpu.dma_semaphore, #tpu.memory_space<semaphore_mem>>) attributes {dimension_semantics = [#tpu.dimension_semantics<core_parallel>, #tpu.dimension_semantics<subcore_parallel>], iteration_bounds = array<i64: 2, 16>, scalar_prefetch = 0 : i64, scratch_operands = 3 : i64, tpu.core_type = #tpu.core_type<sc_vector_subcore>, window_params = [{transform_indices = #map}, {transform_indices = #map1}, {transform_indices = #map}]} {
    %mul3A = arith.constant 2 : i32
    %mul3A_0 = arith.muli %arg1, %mul3A : i32
    %add3A = arith.addi %mul3A_0, %arg0 : i32
    "tpu.region"() ({
      %run_scoped3A = tpu.sem_alloc : memref<!tpu.dma_semaphore, #tpu.memory_space<semaphore_mem>>
      %dma_start3A_41 = arith.constant 0 : i32
      %dma_start3A_42 = arith.constant 0 : i32
      %dma_start3A_43 = tpu.memref_slice %arg3[%add3A, %dma_start3A_41, %dma_start3A_42] : memref<32x2x128xi32, #tpu.memory_space<hbm>> -> memref<1x2x128xi32, #tpu.memory_space<hbm>>
      %dma_start3A_44 = tpu.memref_squeeze %dma_start3A_43 : memref<1x2x128xi32, #tpu.memory_space<hbm>> -> memref<2x128xi32, #tpu.memory_space<hbm>>
      %dma_start3A_45 = arith.constant 0 : i32
      %dma_start3A_46 = arith.constant 0 : i32
      %dma_start3A_47 = tpu.memref_slice %arg3[%add3A, %dma_start3A_45, %dma_start3A_46] : memref<32x2x128xi32, #tpu.memory_space<hbm>> -> memref<1x2x128xi32, #tpu.memory_space<hbm>>
      %dma_start3A_48 = tpu.memref_squeeze %dma_start3A_47 : memref<1x2x128xi32, #tpu.memory_space<hbm>> -> memref<2x128xi32, #tpu.memory_space<hbm>>
      tpu.enqueue_dma source(%dma_start3A_48 : memref<2x128xi32, #tpu.memory_space<hbm>>) target(%arg5 : memref<2x128xi32, #tpu.memory_space<vmem>>) target_semaphore(%run_scoped3A : memref<!tpu.dma_semaphore, #tpu.memory_space<semaphore_mem>>)
      %dma_wait3A_49 = arith.constant 0 : i32
      %dma_wait3A_50 = arith.constant 0 : i32
      %dma_wait3A_51 = tpu.memref_slice %arg3[%add3A, %dma_wait3A_49, %dma_wait3A_50] : memref<32x2x128xi32, #tpu.memory_space<hbm>> -> memref<1x2x128xi32, #tpu.memory_space<hbm>>
      %dma_wait3A_52 = tpu.memref_squeeze %dma_wait3A_51 : memref<1x2x128xi32, #tpu.memory_space<hbm>> -> memref<2x128xi32, #tpu.memory_space<hbm>>
      %dma_wait3A_53 = arith.constant 0 : i32
      %dma_wait3A_54 = arith.constant 0 : i32
      %dma_wait3A_55 = tpu.memref_slice %arg3[%add3A, %dma_wait3A_53, %dma_wait3A_54] : memref<32x2x128xi32, #tpu.memory_space<hbm>> -> memref<1x2x128xi32, #tpu.memory_space<hbm>>
      %dma_wait3A_56 = tpu.memref_squeeze %dma_wait3A_55 : memref<1x2x128xi32, #tpu.memory_space<hbm>> -> memref<2x128xi32, #tpu.memory_space<hbm>>
      tpu.wait_dma2 semaphore(%run_scoped3A : memref<!tpu.dma_semaphore, #tpu.memory_space<semaphore_mem>>) src(%dma_wait3A_56 : memref<2x128xi32, #tpu.memory_space<hbm>>) dst(%arg5 : memref<2x128xi32, #tpu.memory_space<vmem>>)
      tpu.yield
    }) : () -> ()
    %dma_start3A = arith.constant 0 : i32
    %dma_start3A_1 = arith.constant 0 : i32
    %dma_start3A_2 = arith.constant 0 : i32
    %dma_start3A_3 = tpu.memref_slice %arg6[%dma_start3A_1, %dma_start3A_2] : memref<256x256xf32, #tpu.memory_space<vmem>> -> memref<128x256xf32, #tpu.memory_space<vmem>>
    %dma_start3A_4 = arith.constant 0 : i32
    %dma_start3A_5 = tpu.memref_slice %arg5[%dma_start3A, %dma_start3A_4] : memref<2x128xi32, #tpu.memory_space<vmem>> -> memref<1x128xi32, #tpu.memory_space<vmem>>
    %dma_start3A_6 = tpu.memref_squeeze %dma_start3A_5 : memref<1x128xi32, #tpu.memory_space<vmem>> -> memref<128xi32, #tpu.memory_space<vmem>>
    %dma_start3A_7 = arith.constant 0 : i32
    %dma_start3A_8 = arith.constant 0 : i32
    %dma_start3A_9 = tpu.memref_slice %arg2[%dma_start3A_7, %dma_start3A_8] : memref<8192x256xf32, #tpu.memory_space<hbm>> -> memref<8192x256xf32, #tpu.memory_space<hbm>>
    tpu.enqueue_indirect_dma source(%dma_start3A_9 : memref<8192x256xf32, #tpu.memory_space<hbm>>) target(%dma_start3A_3 : memref<128x256xf32, #tpu.memory_space<vmem>>) offsets(%dma_start3A_6 : memref<128xi32, #tpu.memory_space<vmem>>) semaphore(%arg7 : memref<!tpu.dma_semaphore, #tpu.memory_space<semaphore_mem>>)
    %dma_start3A_10 = arith.constant 1 : i32
    %dma_start3A_11 = arith.constant 128 : i32
    %dma_start3A_12 = arith.constant 0 : i32
    %dma_start3A_13 = tpu.memref_slice %arg6[%dma_start3A_11, %dma_start3A_12] : memref<256x256xf32, #tpu.memory_space<vmem>> -> memref<128x256xf32, #tpu.memory_space<vmem>>
    %dma_start3A_14 = arith.constant 0 : i32
    %dma_start3A_15 = tpu.memref_slice %arg5[%dma_start3A_10, %dma_start3A_14] : memref<2x128xi32, #tpu.memory_space<vmem>> -> memref<1x128xi32, #tpu.memory_space<vmem>>
    %dma_start3A_16 = tpu.memref_squeeze %dma_start3A_15 : memref<1x128xi32, #tpu.memory_space<vmem>> -> memref<128xi32, #tpu.memory_space<vmem>>
    %dma_start3A_17 = arith.constant 0 : i32
    %dma_start3A_18 = arith.constant 0 : i32
    %dma_start3A_19 = tpu.memref_slice %arg2[%dma_start3A_17, %dma_start3A_18] : memref<8192x256xf32, #tpu.memory_space<hbm>> -> memref<8192x256xf32, #tpu.memory_space<hbm>>
    tpu.enqueue_indirect_dma source(%dma_start3A_19 : memref<8192x256xf32, #tpu.memory_space<hbm>>) target(%dma_start3A_13 : memref<128x256xf32, #tpu.memory_space<vmem>>) offsets(%dma_start3A_16 : memref<128xi32, #tpu.memory_space<vmem>>) semaphore(%arg7 : memref<!tpu.dma_semaphore, #tpu.memory_space<semaphore_mem>>)
    %dma_wait3A = arith.constant 0 : i32
    %dma_wait3A_20 = arith.constant 0 : i32
    %dma_wait3A_21 = arith.constant 0 : i32
    %dma_wait3A_22 = tpu.memref_slice %arg6[%dma_wait3A_20, %dma_wait3A_21] : memref<256x256xf32, #tpu.memory_space<vmem>> -> memref<128x256xf32, #tpu.memory_space<vmem>>
    %dma_wait3A_23 = arith.constant 0 : i32
    %dma_wait3A_24 = tpu.memref_slice %arg5[%dma_wait3A, %dma_wait3A_23] : memref<2x128xi32, #tpu.memory_space<vmem>> -> memref<1x128xi32, #tpu.memory_space<vmem>>
    %dma_wait3A_25 = tpu.memref_squeeze %dma_wait3A_24 : memref<1x128xi32, #tpu.memory_space<vmem>> -> memref<128xi32, #tpu.memory_space<vmem>>
    %dma_wait3A_26 = arith.constant 0 : i32
    %dma_wait3A_27 = arith.constant 0 : i32
    %dma_wait3A_28 = tpu.memref_slice %arg2[%dma_wait3A_26, %dma_wait3A_27] : memref<8192x256xf32, #tpu.memory_space<hbm>> -> memref<8192x256xf32, #tpu.memory_space<hbm>>
    tpu.wait_indirect_dma semaphore(%arg7 : memref<!tpu.dma_semaphore, #tpu.memory_space<semaphore_mem>>) src(%dma_wait3A_28 : memref<8192x256xf32, #tpu.memory_space<hbm>>) dst(%dma_wait3A_22 : memref<128x256xf32, #tpu.memory_space<vmem>>)
    %dma_wait3A_29 = arith.constant 1 : i32
    %dma_wait3A_30 = arith.constant 128 : i32
    %dma_wait3A_31 = arith.constant 0 : i32
    %dma_wait3A_32 = tpu.memref_slice %arg6[%dma_wait3A_30, %dma_wait3A_31] : memref<256x256xf32, #tpu.memory_space<vmem>> -> memref<128x256xf32, #tpu.memory_space<vmem>>
    %dma_wait3A_33 = arith.constant 0 : i32
    %dma_wait3A_34 = tpu.memref_slice %arg5[%dma_wait3A_29, %dma_wait3A_33] : memref<2x128xi32, #tpu.memory_space<vmem>> -> memref<1x128xi32, #tpu.memory_space<vmem>>
    %dma_wait3A_35 = tpu.memref_squeeze %dma_wait3A_34 : memref<1x128xi32, #tpu.memory_space<vmem>> -> memref<128xi32, #tpu.memory_space<vmem>>
    %dma_wait3A_36 = arith.constant 0 : i32
    %dma_wait3A_37 = arith.constant 0 : i32
    %dma_wait3A_38 = tpu.memref_slice %arg2[%dma_wait3A_36, %dma_wait3A_37] : memref<8192x256xf32, #tpu.memory_space<hbm>> -> memref<8192x256xf32, #tpu.memory_space<hbm>>
    tpu.wait_indirect_dma semaphore(%arg7 : memref<!tpu.dma_semaphore, #tpu.memory_space<semaphore_mem>>) src(%dma_wait3A_38 : memref<8192x256xf32, #tpu.memory_space<hbm>>) dst(%dma_wait3A_32 : memref<128x256xf32, #tpu.memory_space<vmem>>)
    %mul3A_39 = arith.constant 256 : i32
    %mul3A_40 = arith.muli %add3A, %mul3A_39 : i32
    "tpu.region"() ({
      %run_scoped3A = tpu.sem_alloc : memref<!tpu.dma_semaphore, #tpu.memory_space<semaphore_mem>>
      %dma_start3A_41 = arith.constant 0 : i32
      %dma_start3A_42 = tpu.memref_slice %arg4[%mul3A_40, %dma_start3A_41] : memref<8192x256xf32, #tpu.memory_space<hbm>> -> memref<256x256xf32, #tpu.memory_space<hbm>>
      %dma_start3A_43 = arith.constant 0 : i32
      %dma_start3A_44 = tpu.memref_slice %arg4[%mul3A_40, %dma_start3A_43] : memref<8192x256xf32, #tpu.memory_space<hbm>> -> memref<256x256xf32, #tpu.memory_space<hbm>>
      tpu.enqueue_dma source(%arg6 : memref<256x256xf32, #tpu.memory_space<vmem>>) target(%dma_start3A_44 : memref<256x256xf32, #tpu.memory_space<hbm>>) target_semaphore(%run_scoped3A : memref<!tpu.dma_semaphore, #tpu.memory_space<semaphore_mem>>)
      %dma_wait3A_45 = arith.constant 0 : i32
      %dma_wait3A_46 = tpu.memref_slice %arg4[%mul3A_40, %dma_wait3A_45] : memref<8192x256xf32, #tpu.memory_space<hbm>> -> memref<256x256xf32, #tpu.memory_space<hbm>>
      %dma_wait3A_47 = arith.constant 0 : i32
      %dma_wait3A_48 = tpu.memref_slice %arg4[%mul3A_40, %dma_wait3A_47] : memref<8192x256xf32, #tpu.memory_space<hbm>> -> memref<256x256xf32, #tpu.memory_space<hbm>>
      tpu.wait_dma2 semaphore(%run_scoped3A : memref<!tpu.dma_semaphore, #tpu.memory_space<semaphore_mem>>) src(%arg6 : memref<256x256xf32, #tpu.memory_space<vmem>>) dst(%dma_wait3A_48 : memref<256x256xf32, #tpu.memory_space<hbm>>)
      tpu.yield
    }) : () -> ()
    return
  }
}

module attributes {stable_mosaic.version = 14 : i64} {
  func.func @_argmin_body(%arg0: i32, %arg1: memref<512x256xf32, #tpu.memory_space<vmem>>, %arg2: memref<8192x256xf32, #tpu.memory_space<vmem>>, %arg3: memref<512x1xf32, #tpu.memory_space<vmem>>, %arg4: memref<8192xf32, #tpu.memory_space<vmem>>, %arg5: memref<512xi32, #tpu.memory_space<vmem>>, %arg6: memref<1x1xf32, #tpu.memory_space<smem>>, %arg7: memref<256x8192xf32, #tpu.memory_space<vmem>>, %arg8: memref<1x1xf32, #tpu.memory_space<smem>>) attributes {dimension_semantics = [#tpu.dimension_semantics<arbitrary>], iteration_bounds = array<i64: 16>, scalar_prefetch = 0 : i64, scratch_operands = 2 : i64, tpu.core_type = #tpu.core_type<tc>, window_params = [{transform_indices = @transform_0, window_bounds = array<i64: 512, 256>}, {pipeline_mode = #tpu.pipeline_mode<synchronous>, transform_indices = @transform_1, window_bounds = array<i64: 8192, 256>}, {transform_indices = @transform_2, window_bounds = array<i64: 512, 1>}, {pipeline_mode = #tpu.pipeline_mode<synchronous>, transform_indices = @transform_3, window_bounds = array<i64: 8192>}, {transform_indices = @transform_4, window_bounds = array<i64: 512>}, {transform_indices = @transform_5, window_bounds = array<i64: 1, 1>}]} {
    %eq3A = arith.constant 0 : i32
    %eq3A_0 = arith.cmpi eq, %arg0, %eq3A : i32
    %convert_element_type3A = arith.extui %eq3A_0 : i1 to i32
    %cond3A = arith.constant 0 : i32
    %cond3A_1 = arith.cmpi ne, %convert_element_type3A, %cond3A : i32
    scf.if %cond3A_1 {
      %get3A_844 = arith.constant 0 : index
      %get3A_845 = arith.constant 0 : index
      %get3A_846 = vector.load %arg2[%get3A_844, %get3A_845] : memref<8192x256xf32, #tpu.memory_space<vmem>>, vector<8192x256xf32>
      %transpose3A = tpu.transpose %get3A_846, [1, 0] : vector<8192x256xf32> -> vector<256x8192xf32>
      %swap3A_847 = arith.constant 0 : index
      %swap3A_848 = arith.constant 0 : index
      %swap3A_849 = vector.load %arg7[%swap3A_847, %swap3A_848] : memref<256x8192xf32, #tpu.memory_space<vmem>>, vector<256x8192xf32>
      tpu.vector_store %arg7[%swap3A_847, %swap3A_848], %transpose3A {strides = array<i32>} : memref<256x8192xf32, #tpu.memory_space<vmem>>, vector<256x8192xf32>,
    } else {
    }
    %get3A = arith.constant 0 : index
    %get3A_2 = arith.constant 0 : index
    %get3A_3 = vector.load %arg1[%get3A, %get3A_2] : memref<512x256xf32, #tpu.memory_space<vmem>>, vector<512x256xf32>
    %get3A_4 = arith.constant 0 : index
    %get3A_5 = arith.constant 0 : index
    %get3A_6 = vector.load %arg3[%get3A_4, %get3A_5] : memref<512x1xf32, #tpu.memory_space<vmem>>, vector<512x1xf32>
    %get3A_7 = arith.constant 0 : index
    %get3A_8 = vector.load %arg4[%get3A_7] : memref<8192xf32, #tpu.memory_space<vmem>>, vector<8192xf32>
    %broadcast_in_dim3A = arith.constant 0x7F800000 : f32
    %broadcast_in_dim3A_9 = vector.broadcast %broadcast_in_dim3A : f32 to vector<512x128xf32>
    %broadcast_in_dim3A_10 = arith.constant 0 : i32
    %broadcast_in_dim3A_11 = vector.broadcast %broadcast_in_dim3A_10 : i32 to vector<512x128xi32>
    %get3A_12 = arith.constant 0 : index
    %get3A_13 = arith.constant 0 : index
    %get3A_14 = vector.load %arg7[%get3A_12, %get3A_13] : memref<256x8192xf32, #tpu.memory_space<vmem>>, vector<256x1024xf32>
    %dot_general3A = arith.constant dense<0.000000e+00> : vector<512x1024xf32>
    %dot_general3A_15 = tpu.matmul %get3A_3, %get3A_14, %dot_general3A {dimension_numbers = #tpu.dot_dimension_numbers<[1], [0], [0], [1], [0, 0, 1, 1], [], []>, transpose_lhs_hint = false} : vector<512x256xf32>, vector<256x1024xf32>, vector<512x1024xf32> -> vector<512x1024xf32>
    %slice3A = vector.extract_strided_slice %dot_general3A_15 {offsets = [0, 0], sizes = [512, 128], strides = [1, 1]} : vector<512x1024xf32> to vector<512x128xf32>
    %sub3A = vector.broadcast %get3A_6 : vector<512x1xf32> to vector<512x128xf32>
    %sub3A_16 = arith.subf %sub3A, %slice3A : vector<512x128xf32>
    %slice3A_17 = vector.extract_strided_slice %get3A_8 {offsets = [0], sizes = [128], strides = [1]} : vector<8192xf32> to vector<128xf32>
    %broadcast_in_dim3A_18 = vector.shape_cast %slice3A_17 : vector<128xf32> to vector<1x128xf32>
    %add3A = vector.broadcast %broadcast_in_dim3A_18 : vector<1x128xf32> to vector<512x128xf32>
    %add3A_19 = arith.addf %sub3A_16, %add3A : vector<512x128xf32>
    %lt3A = arith.cmpf olt, %add3A_19, %broadcast_in_dim3A_9 : vector<512x128xf32>
    %select_n3A = arith.select %lt3A, %add3A_19, %broadcast_in_dim3A_9 : vector<512x128xi1>, vector<512x128xf32>
    %jit3A = arith.constant 0 : i32
    %broadcast_in_dim3A_20 = vector.broadcast %jit3A : i32 to vector<512x128xi32>
    %select_n3A_21 = arith.select %lt3A, %broadcast_in_dim3A_20, %broadcast_in_dim3A_11 : vector<512x128xi1>, vector<512x128xi32>
    %slice3A_22 = vector.extract_strided_slice %dot_general3A_15 {offsets = [0, 128], sizes = [512, 128], strides = [1, 1]} : vector<512x1024xf32> to vector<512x128xf32>
    %sub3A_23 = vector.broadcast %get3A_6 : vector<512x1xf32> to vector<512x128xf32>
    %sub3A_24 = arith.subf %sub3A_23, %slice3A_22 : vector<512x128xf32>
    %slice3A_25 = vector.extract_strided_slice %get3A_8 {offsets = [128], sizes = [128], strides = [1]} : vector<8192xf32> to vector<128xf32>
    %broadcast_in_dim3A_26 = vector.shape_cast %slice3A_25 : vector<128xf32> to vector<1x128xf32>
    %add3A_27 = vector.broadcast %broadcast_in_dim3A_26 : vector<1x128xf32> to vector<512x128xf32>
    %add3A_28 = arith.addf %sub3A_24, %add3A_27 : vector<512x128xf32>
    %lt3A_29 = arith.cmpf olt, %add3A_28, %select_n3A : vector<512x128xf32>
    %select_n3A_30 = arith.select %lt3A_29, %add3A_28, %select_n3A : vector<512x128xi1>, vector<512x128xf32>
    %jit3A_31 = arith.constant 1 : i32
    %broadcast_in_dim3A_32 = vector.broadcast %jit3A_31 : i32 to vector<512x128xi32>
    %select_n3A_33 = arith.select %lt3A_29, %broadcast_in_dim3A_32, %select_n3A_21 : vector<512x128xi1>, vector<512x128xi32>
    %slice3A_34 = vector.extract_strided_slice %dot_general3A_15 {offsets = [0, 256], sizes = [512, 128], strides = [1, 1]} : vector<512x1024xf32> to vector<512x128xf32>
    %sub3A_35 = vector.broadcast %get3A_6 : vector<512x1xf32> to vector<512x128xf32>
    %sub3A_36 = arith.subf %sub3A_35, %slice3A_34 : vector<512x128xf32>
    %slice3A_37 = vector.extract_strided_slice %get3A_8 {offsets = [256], sizes = [128], strides = [1]} : vector<8192xf32> to vector<128xf32>
    %broadcast_in_dim3A_38 = vector.shape_cast %slice3A_37 : vector<128xf32> to vector<1x128xf32>
    %add3A_39 = vector.broadcast %broadcast_in_dim3A_38 : vector<1x128xf32> to vector<512x128xf32>
    %add3A_40 = arith.addf %sub3A_36, %add3A_39 : vector<512x128xf32>
    %lt3A_41 = arith.cmpf olt, %add3A_40, %select_n3A_30 : vector<512x128xf32>
    %select_n3A_42 = arith.select %lt3A_41, %add3A_40, %select_n3A_30 : vector<512x128xi1>, vector<512x128xf32>
    %jit3A_43 = arith.constant 2 : i32
    %broadcast_in_dim3A_44 = vector.broadcast %jit3A_43 : i32 to vector<512x128xi32>
    %select_n3A_45 = arith.select %lt3A_41, %broadcast_in_dim3A_44, %select_n3A_33 : vector<512x128xi1>, vector<512x128xi32>
    %slice3A_46 = vector.extract_strided_slice %dot_general3A_15 {offsets = [0, 384], sizes = [512, 128], strides = [1, 1]} : vector<512x1024xf32> to vector<512x128xf32>
    %sub3A_47 = vector.broadcast %get3A_6 : vector<512x1xf32> to vector<512x128xf32>
    %sub3A_48 = arith.subf %sub3A_47, %slice3A_46 : vector<512x128xf32>
    %slice3A_49 = vector.extract_strided_slice %get3A_8 {offsets = [384], sizes = [128], strides = [1]} : vector<8192xf32> to vector<128xf32>
    %broadcast_in_dim3A_50 = vector.shape_cast %slice3A_49 : vector<128xf32> to vector<1x128xf32>
    %add3A_51 = vector.broadcast %broadcast_in_dim3A_50 : vector<1x128xf32> to vector<512x128xf32>
    %add3A_52 = arith.addf %sub3A_48, %add3A_51 : vector<512x128xf32>
    %lt3A_53 = arith.cmpf olt, %add3A_52, %select_n3A_42 : vector<512x128xf32>
    %select_n3A_54 = arith.select %lt3A_53, %add3A_52, %select_n3A_42 : vector<512x128xi1>, vector<512x128xf32>
    %jit3A_55 = arith.constant 3 : i32
    %broadcast_in_dim3A_56 = vector.broadcast %jit3A_55 : i32 to vector<512x128xi32>
    %select_n3A_57 = arith.select %lt3A_53, %broadcast_in_dim3A_56, %select_n3A_45 : vector<512x128xi1>, vector<512x128xi32>
    %slice3A_58 = vector.extract_strided_slice %dot_general3A_15 {offsets = [0, 512], sizes = [512, 128], strides = [1, 1]} : vector<512x1024xf32> to vector<512x128xf32>
    %sub3A_59 = vector.broadcast %get3A_6 : vector<512x1xf32> to vector<512x128xf32>
    %sub3A_60 = arith.subf %sub3A_59, %slice3A_58 : vector<512x128xf32>
    %slice3A_61 = vector.extract_strided_slice %get3A_8 {offsets = [512], sizes = [128], strides = [1]} : vector<8192xf32> to vector<128xf32>
    %broadcast_in_dim3A_62 = vector.shape_cast %slice3A_61 : vector<128xf32> to vector<1x128xf32>
    %add3A_63 = vector.broadcast %broadcast_in_dim3A_62 : vector<1x128xf32> to vector<512x128xf32>
    %add3A_64 = arith.addf %sub3A_60, %add3A_63 : vector<512x128xf32>
    %lt3A_65 = arith.cmpf olt, %add3A_64, %select_n3A_54 : vector<512x128xf32>
    %select_n3A_66 = arith.select %lt3A_65, %add3A_64, %select_n3A_54 : vector<512x128xi1>, vector<512x128xf32>
    %jit3A_67 = arith.constant 4 : i32
    %broadcast_in_dim3A_68 = vector.broadcast %jit3A_67 : i32 to vector<512x128xi32>
    %select_n3A_69 = arith.select %lt3A_65, %broadcast_in_dim3A_68, %select_n3A_57 : vector<512x128xi1>, vector<512x128xi32>
    %slice3A_70 = vector.extract_strided_slice %dot_general3A_15 {offsets = [0, 640], sizes = [512, 128], strides = [1, 1]} : vector<512x1024xf32> to vector<512x128xf32>
    %sub3A_71 = vector.broadcast %get3A_6 : vector<512x1xf32> to vector<512x128xf32>
    %sub3A_72 = arith.subf %sub3A_71, %slice3A_70 : vector<512x128xf32>
    %slice3A_73 = vector.extract_strided_slice %get3A_8 {offsets = [640], sizes = [128], strides = [1]} : vector<8192xf32> to vector<128xf32>
    %broadcast_in_dim3A_74 = vector.shape_cast %slice3A_73 : vector<128xf32> to vector<1x128xf32>
    %add3A_75 = vector.broadcast %broadcast_in_dim3A_74 : vector<1x128xf32> to vector<512x128xf32>
    %add3A_76 = arith.addf %sub3A_72, %add3A_75 : vector<512x128xf32>
    %lt3A_77 = arith.cmpf olt, %add3A_76, %select_n3A_66 : vector<512x128xf32>
    %select_n3A_78 = arith.select %lt3A_77, %add3A_76, %select_n3A_66 : vector<512x128xi1>, vector<512x128xf32>
    %jit3A_79 = arith.constant 5 : i32
    %broadcast_in_dim3A_80 = vector.broadcast %jit3A_79 : i32 to vector<512x128xi32>
    %select_n3A_81 = arith.select %lt3A_77, %broadcast_in_dim3A_80, %select_n3A_69 : vector<512x128xi1>, vector<512x128xi32>
    %slice3A_82 = vector.extract_strided_slice %dot_general3A_15 {offsets = [0, 768], sizes = [512, 128], strides = [1, 1]} : vector<512x1024xf32> to vector<512x128xf32>
    %sub3A_83 = vector.broadcast %get3A_6 : vector<512x1xf32> to vector<512x128xf32>
    %sub3A_84 = arith.subf %sub3A_83, %slice3A_82 : vector<512x128xf32>
    %slice3A_85 = vector.extract_strided_slice %get3A_8 {offsets = [768], sizes = [128], strides = [1]} : vector<8192xf32> to vector<128xf32>
    %broadcast_in_dim3A_86 = vector.shape_cast %slice3A_85 : vector<128xf32> to vector<1x128xf32>
    %add3A_87 = vector.broadcast %broadcast_in_dim3A_86 : vector<1x128xf32> to vector<512x128xf32>
    %add3A_88 = arith.addf %sub3A_84, %add3A_87 : vector<512x128xf32>
    %lt3A_89 = arith.cmpf olt, %add3A_88, %select_n3A_78 : vector<512x128xf32>
    %select_n3A_90 = arith.select %lt3A_89, %add3A_88, %select_n3A_78 : vector<512x128xi1>, vector<512x128xf32>
    %jit3A_91 = arith.constant 6 : i32
    %broadcast_in_dim3A_92 = vector.broadcast %jit3A_91 : i32 to vector<512x128xi32>
    %select_n3A_93 = arith.select %lt3A_89, %broadcast_in_dim3A_92, %select_n3A_81 : vector<512x128xi1>, vector<512x128xi32>
    %slice3A_94 = vector.extract_strided_slice %dot_general3A_15 {offsets = [0, 896], sizes = [512, 128], strides = [1, 1]} : vector<512x1024xf32> to vector<512x128xf32>
    %sub3A_95 = vector.broadcast %get3A_6 : vector<512x1xf32> to vector<512x128xf32>
    %sub3A_96 = arith.subf %sub3A_95, %slice3A_94 : vector<512x128xf32>
    %slice3A_97 = vector.extract_strided_slice %get3A_8 {offsets = [896], sizes = [128], strides = [1]} : vector<8192xf32> to vector<128xf32>
    %broadcast_in_dim3A_98 = vector.shape_cast %slice3A_97 : vector<128xf32> to vector<1x128xf32>
    %add3A_99 = vector.broadcast %broadcast_in_dim3A_98 : vector<1x128xf32> to vector<512x128xf32>
    %add3A_100 = arith.addf %sub3A_96, %add3A_99 : vector<512x128xf32>
    %lt3A_101 = arith.cmpf olt, %add3A_100, %select_n3A_90 : vector<512x128xf32>
    %select_n3A_102 = arith.select %lt3A_101, %add3A_100, %select_n3A_90 : vector<512x128xi1>, vector<512x128xf32>
    %jit3A_103 = arith.constant 7 : i32
    %broadcast_in_dim3A_104 = vector.broadcast %jit3A_103 : i32 to vector<512x128xi32>
    %select_n3A_105 = arith.select %lt3A_101, %broadcast_in_dim3A_104, %select_n3A_93 : vector<512x128xi1>, vector<512x128xi32>
    %get3A_106 = arith.constant 0 : index
    %get3A_107 = arith.constant 1024 : index
    %get3A_108 = vector.load %arg7[%get3A_106, %get3A_107] : memref<256x8192xf32, #tpu.memory_space<vmem>>, vector<256x1024xf32>
    %dot_general3A_109 = arith.constant dense<0.000000e+00> : vector<512x1024xf32>
    %dot_general3A_110 = tpu.matmul %get3A_3, %get3A_108, %dot_general3A_109 {dimension_numbers = #tpu.dot_dimension_numbers<[1], [0], [0], [1], [0, 0, 1, 1], [], []>, transpose_lhs_hint = false} : vector<512x256xf32>, vector<256x1024xf32>, vector<512x1024xf32> -> vector<512x1024xf32>
    %slice3A_111 = vector.extract_strided_slice %dot_general3A_110 {offsets = [0, 0], sizes = [512, 128], strides = [1, 1]} : vector<512x1024xf32> to vector<512x128xf32>
    %sub3A_112 = vector.broadcast %get3A_6 : vector<512x1xf32> to vector<512x128xf32>
    %sub3A_113 = arith.subf %sub3A_112, %slice3A_111 : vector<512x128xf32>
    %slice3A_114 = vector.extract_strided_slice %get3A_8 {offsets = [1024], sizes = [128], strides = [1]} : vector<8192xf32> to vector<128xf32>
    %broadcast_in_dim3A_115 = vector.shape_cast %slice3A_114 : vector<128xf32> to vector<1x128xf32>
    %add3A_116 = vector.broadcast %broadcast_in_dim3A_115 : vector<1x128xf32> to vector<512x128xf32>
    %add3A_117 = arith.addf %sub3A_113, %add3A_116 : vector<512x128xf32>
    %lt3A_118 = arith.cmpf olt, %add3A_117, %select_n3A_102 : vector<512x128xf32>
    %select_n3A_119 = arith.select %lt3A_118, %add3A_117, %select_n3A_102 : vector<512x128xi1>, vector<512x128xf32>
    %jit3A_120 = arith.constant 8 : i32
    %broadcast_in_dim3A_121 = vector.broadcast %jit3A_120 : i32 to vector<512x128xi32>
    %select_n3A_122 = arith.select %lt3A_118, %broadcast_in_dim3A_121, %select_n3A_105 : vector<512x128xi1>, vector<512x128xi32>
    %slice3A_123 = vector.extract_strided_slice %dot_general3A_110 {offsets = [0, 128], sizes = [512, 128], strides = [1, 1]} : vector<512x1024xf32> to vector<512x128xf32>
    %sub3A_124 = vector.broadcast %get3A_6 : vector<512x1xf32> to vector<512x128xf32>
    %sub3A_125 = arith.subf %sub3A_124, %slice3A_123 : vector<512x128xf32>
    %slice3A_126 = vector.extract_strided_slice %get3A_8 {offsets = [1152], sizes = [128], strides = [1]} : vector<8192xf32> to vector<128xf32>
    %broadcast_in_dim3A_127 = vector.shape_cast %slice3A_126 : vector<128xf32> to vector<1x128xf32>
    %add3A_128 = vector.broadcast %broadcast_in_dim3A_127 : vector<1x128xf32> to vector<512x128xf32>
    %add3A_129 = arith.addf %sub3A_125, %add3A_128 : vector<512x128xf32>
    %lt3A_130 = arith.cmpf olt, %add3A_129, %select_n3A_119 : vector<512x128xf32>
    %select_n3A_131 = arith.select %lt3A_130, %add3A_129, %select_n3A_119 : vector<512x128xi1>, vector<512x128xf32>
    %jit3A_132 = arith.constant 9 : i32
    %broadcast_in_dim3A_133 = vector.broadcast %jit3A_132 : i32 to vector<512x128xi32>
    %select_n3A_134 = arith.select %lt3A_130, %broadcast_in_dim3A_133, %select_n3A_122 : vector<512x128xi1>, vector<512x128xi32>
    %slice3A_135 = vector.extract_strided_slice %dot_general3A_110 {offsets = [0, 256], sizes = [512, 128], strides = [1, 1]} : vector<512x1024xf32> to vector<512x128xf32>
    %sub3A_136 = vector.broadcast %get3A_6 : vector<512x1xf32> to vector<512x128xf32>
    %sub3A_137 = arith.subf %sub3A_136, %slice3A_135 : vector<512x128xf32>
    %slice3A_138 = vector.extract_strided_slice %get3A_8 {offsets = [1280], sizes = [128], strides = [1]} : vector<8192xf32> to vector<128xf32>
    %broadcast_in_dim3A_139 = vector.shape_cast %slice3A_138 : vector<128xf32> to vector<1x128xf32>
    %add3A_140 = vector.broadcast %broadcast_in_dim3A_139 : vector<1x128xf32> to vector<512x128xf32>
    %add3A_141 = arith.addf %sub3A_137, %add3A_140 : vector<512x128xf32>
    %lt3A_142 = arith.cmpf olt, %add3A_141, %select_n3A_131 : vector<512x128xf32>
    %select_n3A_143 = arith.select %lt3A_142, %add3A_141, %select_n3A_131 : vector<512x128xi1>, vector<512x128xf32>
    %jit3A_144 = arith.constant 10 : i32
    %broadcast_in_dim3A_145 = vector.broadcast %jit3A_144 : i32 to vector<512x128xi32>
    %select_n3A_146 = arith.select %lt3A_142, %broadcast_in_dim3A_145, %select_n3A_134 : vector<512x128xi1>, vector<512x128xi32>
    %slice3A_147 = vector.extract_strided_slice %dot_general3A_110 {offsets = [0, 384], sizes = [512, 128], strides = [1, 1]} : vector<512x1024xf32> to vector<512x128xf32>
    %sub3A_148 = vector.broadcast %get3A_6 : vector<512x1xf32> to vector<512x128xf32>
    %sub3A_149 = arith.subf %sub3A_148, %slice3A_147 : vector<512x128xf32>
    %slice3A_150 = vector.extract_strided_slice %get3A_8 {offsets = [1408], sizes = [128], strides = [1]} : vector<8192xf32> to vector<128xf32>
    %broadcast_in_dim3A_151 = vector.shape_cast %slice3A_150 : vector<128xf32> to vector<1x128xf32>
    %add3A_152 = vector.broadcast %broadcast_in_dim3A_151 : vector<1x128xf32> to vector<512x128xf32>
    %add3A_153 = arith.addf %sub3A_149, %add3A_152 : vector<512x128xf32>
    %lt3A_154 = arith.cmpf olt, %add3A_153, %select_n3A_143 : vector<512x128xf32>
    %select_n3A_155 = arith.select %lt3A_154, %add3A_153, %select_n3A_143 : vector<512x128xi1>, vector<512x128xf32>
    %jit3A_156 = arith.constant 11 : i32
    %broadcast_in_dim3A_157 = vector.broadcast %jit3A_156 : i32 to vector<512x128xi32>
    %select_n3A_158 = arith.select %lt3A_154, %broadcast_in_dim3A_157, %select_n3A_146 : vector<512x128xi1>, vector<512x128xi32>
    %slice3A_159 = vector.extract_strided_slice %dot_general3A_110 {offsets = [0, 512], sizes = [512, 128], strides = [1, 1]} : vector<512x1024xf32> to vector<512x128xf32>
    %sub3A_160 = vector.broadcast %get3A_6 : vector<512x1xf32> to vector<512x128xf32>
    %sub3A_161 = arith.subf %sub3A_160, %slice3A_159 : vector<512x128xf32>
    %slice3A_162 = vector.extract_strided_slice %get3A_8 {offsets = [1536], sizes = [128], strides = [1]} : vector<8192xf32> to vector<128xf32>
    %broadcast_in_dim3A_163 = vector.shape_cast %slice3A_162 : vector<128xf32> to vector<1x128xf32>
    %add3A_164 = vector.broadcast %broadcast_in_dim3A_163 : vector<1x128xf32> to vector<512x128xf32>
    %add3A_165 = arith.addf %sub3A_161, %add3A_164 : vector<512x128xf32>
    %lt3A_166 = arith.cmpf olt, %add3A_165, %select_n3A_155 : vector<512x128xf32>
    %select_n3A_167 = arith.select %lt3A_166, %add3A_165, %select_n3A_155 : vector<512x128xi1>, vector<512x128xf32>
    %jit3A_168 = arith.constant 12 : i32
    %broadcast_in_dim3A_169 = vector.broadcast %jit3A_168 : i32 to vector<512x128xi32>
    %select_n3A_170 = arith.select %lt3A_166, %broadcast_in_dim3A_169, %select_n3A_158 : vector<512x128xi1>, vector<512x128xi32>
    %slice3A_171 = vector.extract_strided_slice %dot_general3A_110 {offsets = [0, 640], sizes = [512, 128], strides = [1, 1]} : vector<512x1024xf32> to vector<512x128xf32>
    %sub3A_172 = vector.broadcast %get3A_6 : vector<512x1xf32> to vector<512x128xf32>
    %sub3A_173 = arith.subf %sub3A_172, %slice3A_171 : vector<512x128xf32>
    %slice3A_174 = vector.extract_strided_slice %get3A_8 {offsets = [1664], sizes = [128], strides = [1]} : vector<8192xf32> to vector<128xf32>
    %broadcast_in_dim3A_175 = vector.shape_cast %slice3A_174 : vector<128xf32> to vector<1x128xf32>
    %add3A_176 = vector.broadcast %broadcast_in_dim3A_175 : vector<1x128xf32> to vector<512x128xf32>
    %add3A_177 = arith.addf %sub3A_173, %add3A_176 : vector<512x128xf32>
    %lt3A_178 = arith.cmpf olt, %add3A_177, %select_n3A_167 : vector<512x128xf32>
    %select_n3A_179 = arith.select %lt3A_178, %add3A_177, %select_n3A_167 : vector<512x128xi1>, vector<512x128xf32>
    %jit3A_180 = arith.constant 13 : i32
    %broadcast_in_dim3A_181 = vector.broadcast %jit3A_180 : i32 to vector<512x128xi32>
    %select_n3A_182 = arith.select %lt3A_178, %broadcast_in_dim3A_181, %select_n3A_170 : vector<512x128xi1>, vector<512x128xi32>
    %slice3A_183 = vector.extract_strided_slice %dot_general3A_110 {offsets = [0, 768], sizes = [512, 128], strides = [1, 1]} : vector<512x1024xf32> to vector<512x128xf32>
    %sub3A_184 = vector.broadcast %get3A_6 : vector<512x1xf32> to vector<512x128xf32>
    %sub3A_185 = arith.subf %sub3A_184, %slice3A_183 : vector<512x128xf32>
    %slice3A_186 = vector.extract_strided_slice %get3A_8 {offsets = [1792], sizes = [128], strides = [1]} : vector<8192xf32> to vector<128xf32>
    %broadcast_in_dim3A_187 = vector.shape_cast %slice3A_186 : vector<128xf32> to vector<1x128xf32>
    %add3A_188 = vector.broadcast %broadcast_in_dim3A_187 : vector<1x128xf32> to vector<512x128xf32>
    %add3A_189 = arith.addf %sub3A_185, %add3A_188 : vector<512x128xf32>
    %lt3A_190 = arith.cmpf olt, %add3A_189, %select_n3A_179 : vector<512x128xf32>
    %select_n3A_191 = arith.select %lt3A_190, %add3A_189, %select_n3A_179 : vector<512x128xi1>, vector<512x128xf32>
    %jit3A_192 = arith.constant 14 : i32
    %broadcast_in_dim3A_193 = vector.broadcast %jit3A_192 : i32 to vector<512x128xi32>
    %select_n3A_194 = arith.select %lt3A_190, %broadcast_in_dim3A_193, %select_n3A_182 : vector<512x128xi1>, vector<512x128xi32>
    %slice3A_195 = vector.extract_strided_slice %dot_general3A_110 {offsets = [0, 896], sizes = [512, 128], strides = [1, 1]} : vector<512x1024xf32> to vector<512x128xf32>
    %sub3A_196 = vector.broadcast %get3A_6 : vector<512x1xf32> to vector<512x128xf32>
    %sub3A_197 = arith.subf %sub3A_196, %slice3A_195 : vector<512x128xf32>
    %slice3A_198 = vector.extract_strided_slice %get3A_8 {offsets = [1920], sizes = [128], strides = [1]} : vector<8192xf32> to vector<128xf32>
    %broadcast_in_dim3A_199 = vector.shape_cast %slice3A_198 : vector<128xf32> to vector<1x128xf32>
    %add3A_200 = vector.broadcast %broadcast_in_dim3A_199 : vector<1x128xf32> to vector<512x128xf32>
    %add3A_201 = arith.addf %sub3A_197, %add3A_200 : vector<512x128xf32>
    %lt3A_202 = arith.cmpf olt, %add3A_201, %select_n3A_191 : vector<512x128xf32>
    %select_n3A_203 = arith.select %lt3A_202, %add3A_201, %select_n3A_191 : vector<512x128xi1>, vector<512x128xf32>
    %jit3A_204 = arith.constant 15 : i32
    %broadcast_in_dim3A_205 = vector.broadcast %jit3A_204 : i32 to vector<512x128xi32>
    %select_n3A_206 = arith.select %lt3A_202, %broadcast_in_dim3A_205, %select_n3A_194 : vector<512x128xi1>, vector<512x128xi32>
    %get3A_207 = arith.constant 0 : index
    %get3A_208 = arith.constant 2048 : index
    %get3A_209 = vector.load %arg7[%get3A_207, %get3A_208] : memref<256x8192xf32, #tpu.memory_space<vmem>>, vector<256x1024xf32>
    %dot_general3A_210 = arith.constant dense<0.000000e+00> : vector<512x1024xf32>
    %dot_general3A_211 = tpu.matmul %get3A_3, %get3A_209, %dot_general3A_210 {dimension_numbers = #tpu.dot_dimension_numbers<[1], [0], [0], [1], [0, 0, 1, 1], [], []>, transpose_lhs_hint = false} : vector<512x256xf32>, vector<256x1024xf32>, vector<512x1024xf32> -> vector<512x1024xf32>
    %slice3A_212 = vector.extract_strided_slice %dot_general3A_211 {offsets = [0, 0], sizes = [512, 128], strides = [1, 1]} : vector<512x1024xf32> to vector<512x128xf32>
    %sub3A_213 = vector.broadcast %get3A_6 : vector<512x1xf32> to vector<512x128xf32>
    %sub3A_214 = arith.subf %sub3A_213, %slice3A_212 : vector<512x128xf32>
    %slice3A_215 = vector.extract_strided_slice %get3A_8 {offsets = [2048], sizes = [128], strides = [1]} : vector<8192xf32> to vector<128xf32>
    %broadcast_in_dim3A_216 = vector.shape_cast %slice3A_215 : vector<128xf32> to vector<1x128xf32>
    %add3A_217 = vector.broadcast %broadcast_in_dim3A_216 : vector<1x128xf32> to vector<512x128xf32>
    %add3A_218 = arith.addf %sub3A_214, %add3A_217 : vector<512x128xf32>
    %lt3A_219 = arith.cmpf olt, %add3A_218, %select_n3A_203 : vector<512x128xf32>
    %select_n3A_220 = arith.select %lt3A_219, %add3A_218, %select_n3A_203 : vector<512x128xi1>, vector<512x128xf32>
    %jit3A_221 = arith.constant 16 : i32
    %broadcast_in_dim3A_222 = vector.broadcast %jit3A_221 : i32 to vector<512x128xi32>
    %select_n3A_223 = arith.select %lt3A_219, %broadcast_in_dim3A_222, %select_n3A_206 : vector<512x128xi1>, vector<512x128xi32>
    %slice3A_224 = vector.extract_strided_slice %dot_general3A_211 {offsets = [0, 128], sizes = [512, 128], strides = [1, 1]} : vector<512x1024xf32> to vector<512x128xf32>
    %sub3A_225 = vector.broadcast %get3A_6 : vector<512x1xf32> to vector<512x128xf32>
    %sub3A_226 = arith.subf %sub3A_225, %slice3A_224 : vector<512x128xf32>
    %slice3A_227 = vector.extract_strided_slice %get3A_8 {offsets = [2176], sizes = [128], strides = [1]} : vector<8192xf32> to vector<128xf32>
    %broadcast_in_dim3A_228 = vector.shape_cast %slice3A_227 : vector<128xf32> to vector<1x128xf32>
    %add3A_229 = vector.broadcast %broadcast_in_dim3A_228 : vector<1x128xf32> to vector<512x128xf32>
    %add3A_230 = arith.addf %sub3A_226, %add3A_229 : vector<512x128xf32>
    %lt3A_231 = arith.cmpf olt, %add3A_230, %select_n3A_220 : vector<512x128xf32>
    %select_n3A_232 = arith.select %lt3A_231, %add3A_230, %select_n3A_220 : vector<512x128xi1>, vector<512x128xf32>
    %jit3A_233 = arith.constant 17 : i32
    %broadcast_in_dim3A_234 = vector.broadcast %jit3A_233 : i32 to vector<512x128xi32>
    %select_n3A_235 = arith.select %lt3A_231, %broadcast_in_dim3A_234, %select_n3A_223 : vector<512x128xi1>, vector<512x128xi32>
    %slice3A_236 = vector.extract_strided_slice %dot_general3A_211 {offsets = [0, 256], sizes = [512, 128], strides = [1, 1]} : vector<512x1024xf32> to vector<512x128xf32>
    %sub3A_237 = vector.broadcast %get3A_6 : vector<512x1xf32> to vector<512x128xf32>
    %sub3A_238 = arith.subf %sub3A_237, %slice3A_236 : vector<512x128xf32>
    %slice3A_239 = vector.extract_strided_slice %get3A_8 {offsets = [2304], sizes = [128], strides = [1]} : vector<8192xf32> to vector<128xf32>
    %broadcast_in_dim3A_240 = vector.shape_cast %slice3A_239 : vector<128xf32> to vector<1x128xf32>
    %add3A_241 = vector.broadcast %broadcast_in_dim3A_240 : vector<1x128xf32> to vector<512x128xf32>
    %add3A_242 = arith.addf %sub3A_238, %add3A_241 : vector<512x128xf32>
    %lt3A_243 = arith.cmpf olt, %add3A_242, %select_n3A_232 : vector<512x128xf32>
    %select_n3A_244 = arith.select %lt3A_243, %add3A_242, %select_n3A_232 : vector<512x128xi1>, vector<512x128xf32>
    %jit3A_245 = arith.constant 18 : i32
    %broadcast_in_dim3A_246 = vector.broadcast %jit3A_245 : i32 to vector<512x128xi32>
    %select_n3A_247 = arith.select %lt3A_243, %broadcast_in_dim3A_246, %select_n3A_235 : vector<512x128xi1>, vector<512x128xi32>
    %slice3A_248 = vector.extract_strided_slice %dot_general3A_211 {offsets = [0, 384], sizes = [512, 128], strides = [1, 1]} : vector<512x1024xf32> to vector<512x128xf32>
    %sub3A_249 = vector.broadcast %get3A_6 : vector<512x1xf32> to vector<512x128xf32>
    %sub3A_250 = arith.subf %sub3A_249, %slice3A_248 : vector<512x128xf32>
    %slice3A_251 = vector.extract_strided_slice %get3A_8 {offsets = [2432], sizes = [128], strides = [1]} : vector<8192xf32> to vector<128xf32>
    %broadcast_in_dim3A_252 = vector.shape_cast %slice3A_251 : vector<128xf32> to vector<1x128xf32>
    %add3A_253 = vector.broadcast %broadcast_in_dim3A_252 : vector<1x128xf32> to vector<512x128xf32>
    %add3A_254 = arith.addf %sub3A_250, %add3A_253 : vector<512x128xf32>
    %lt3A_255 = arith.cmpf olt, %add3A_254, %select_n3A_244 : vector<512x128xf32>
    %select_n3A_256 = arith.select %lt3A_255, %add3A_254, %select_n3A_244 : vector<512x128xi1>, vector<512x128xf32>
    %jit3A_257 = arith.constant 19 : i32
    %broadcast_in_dim3A_258 = vector.broadcast %jit3A_257 : i32 to vector<512x128xi32>
    %select_n3A_259 = arith.select %lt3A_255, %broadcast_in_dim3A_258, %select_n3A_247 : vector<512x128xi1>, vector<512x128xi32>
    %slice3A_260 = vector.extract_strided_slice %dot_general3A_211 {offsets = [0, 512], sizes = [512, 128], strides = [1, 1]} : vector<512x1024xf32> to vector<512x128xf32>
    %sub3A_261 = vector.broadcast %get3A_6 : vector<512x1xf32> to vector<512x128xf32>
    %sub3A_262 = arith.subf %sub3A_261, %slice3A_260 : vector<512x128xf32>
    %slice3A_263 = vector.extract_strided_slice %get3A_8 {offsets = [2560], sizes = [128], strides = [1]} : vector<8192xf32> to vector<128xf32>
    %broadcast_in_dim3A_264 = vector.shape_cast %slice3A_263 : vector<128xf32> to vector<1x128xf32>
    %add3A_265 = vector.broadcast %broadcast_in_dim3A_264 : vector<1x128xf32> to vector<512x128xf32>
    %add3A_266 = arith.addf %sub3A_262, %add3A_265 : vector<512x128xf32>
    %lt3A_267 = arith.cmpf olt, %add3A_266, %select_n3A_256 : vector<512x128xf32>
    %select_n3A_268 = arith.select %lt3A_267, %add3A_266, %select_n3A_256 : vector<512x128xi1>, vector<512x128xf32>
    %jit3A_269 = arith.constant 20 : i32
    %broadcast_in_dim3A_270 = vector.broadcast %jit3A_269 : i32 to vector<512x128xi32>
    %select_n3A_271 = arith.select %lt3A_267, %broadcast_in_dim3A_270, %select_n3A_259 : vector<512x128xi1>, vector<512x128xi32>
    %slice3A_272 = vector.extract_strided_slice %dot_general3A_211 {offsets = [0, 640], sizes = [512, 128], strides = [1, 1]} : vector<512x1024xf32> to vector<512x128xf32>
    %sub3A_273 = vector.broadcast %get3A_6 : vector<512x1xf32> to vector<512x128xf32>
    %sub3A_274 = arith.subf %sub3A_273, %slice3A_272 : vector<512x128xf32>
    %slice3A_275 = vector.extract_strided_slice %get3A_8 {offsets = [2688], sizes = [128], strides = [1]} : vector<8192xf32> to vector<128xf32>
    %broadcast_in_dim3A_276 = vector.shape_cast %slice3A_275 : vector<128xf32> to vector<1x128xf32>
    %add3A_277 = vector.broadcast %broadcast_in_dim3A_276 : vector<1x128xf32> to vector<512x128xf32>
    %add3A_278 = arith.addf %sub3A_274, %add3A_277 : vector<512x128xf32>
    %lt3A_279 = arith.cmpf olt, %add3A_278, %select_n3A_268 : vector<512x128xf32>
    %select_n3A_280 = arith.select %lt3A_279, %add3A_278, %select_n3A_268 : vector<512x128xi1>, vector<512x128xf32>
    %jit3A_281 = arith.constant 21 : i32
    %broadcast_in_dim3A_282 = vector.broadcast %jit3A_281 : i32 to vector<512x128xi32>
    %select_n3A_283 = arith.select %lt3A_279, %broadcast_in_dim3A_282, %select_n3A_271 : vector<512x128xi1>, vector<512x128xi32>
    %slice3A_284 = vector.extract_strided_slice %dot_general3A_211 {offsets = [0, 768], sizes = [512, 128], strides = [1, 1]} : vector<512x1024xf32> to vector<512x128xf32>
    %sub3A_285 = vector.broadcast %get3A_6 : vector<512x1xf32> to vector<512x128xf32>
    %sub3A_286 = arith.subf %sub3A_285, %slice3A_284 : vector<512x128xf32>
    %slice3A_287 = vector.extract_strided_slice %get3A_8 {offsets = [2816], sizes = [128], strides = [1]} : vector<8192xf32> to vector<128xf32>
    %broadcast_in_dim3A_288 = vector.shape_cast %slice3A_287 : vector<128xf32> to vector<1x128xf32>
    %add3A_289 = vector.broadcast %broadcast_in_dim3A_288 : vector<1x128xf32> to vector<512x128xf32>
    %add3A_290 = arith.addf %sub3A_286, %add3A_289 : vector<512x128xf32>
    %lt3A_291 = arith.cmpf olt, %add3A_290, %select_n3A_280 : vector<512x128xf32>
    %select_n3A_292 = arith.select %lt3A_291, %add3A_290, %select_n3A_280 : vector<512x128xi1>, vector<512x128xf32>
    %jit3A_293 = arith.constant 22 : i32
    %broadcast_in_dim3A_294 = vector.broadcast %jit3A_293 : i32 to vector<512x128xi32>
    %select_n3A_295 = arith.select %lt3A_291, %broadcast_in_dim3A_294, %select_n3A_283 : vector<512x128xi1>, vector<512x128xi32>
    %slice3A_296 = vector.extract_strided_slice %dot_general3A_211 {offsets = [0, 896], sizes = [512, 128], strides = [1, 1]} : vector<512x1024xf32> to vector<512x128xf32>
    %sub3A_297 = vector.broadcast %get3A_6 : vector<512x1xf32> to vector<512x128xf32>
    %sub3A_298 = arith.subf %sub3A_297, %slice3A_296 : vector<512x128xf32>
    %slice3A_299 = vector.extract_strided_slice %get3A_8 {offsets = [2944], sizes = [128], strides = [1]} : vector<8192xf32> to vector<128xf32>
    %broadcast_in_dim3A_300 = vector.shape_cast %slice3A_299 : vector<128xf32> to vector<1x128xf32>
    %add3A_301 = vector.broadcast %broadcast_in_dim3A_300 : vector<1x128xf32> to vector<512x128xf32>
    %add3A_302 = arith.addf %sub3A_298, %add3A_301 : vector<512x128xf32>
    %lt3A_303 = arith.cmpf olt, %add3A_302, %select_n3A_292 : vector<512x128xf32>
    %select_n3A_304 = arith.select %lt3A_303, %add3A_302, %select_n3A_292 : vector<512x128xi1>, vector<512x128xf32>
    %jit3A_305 = arith.constant 23 : i32
    %broadcast_in_dim3A_306 = vector.broadcast %jit3A_305 : i32 to vector<512x128xi32>
    %select_n3A_307 = arith.select %lt3A_303, %broadcast_in_dim3A_306, %select_n3A_295 : vector<512x128xi1>, vector<512x128xi32>
    %get3A_308 = arith.constant 0 : index
    %get3A_309 = arith.constant 3072 : index
    %get3A_310 = vector.load %arg7[%get3A_308, %get3A_309] : memref<256x8192xf32, #tpu.memory_space<vmem>>, vector<256x1024xf32>
    %dot_general3A_311 = arith.constant dense<0.000000e+00> : vector<512x1024xf32>
    %dot_general3A_312 = tpu.matmul %get3A_3, %get3A_310, %dot_general3A_311 {dimension_numbers = #tpu.dot_dimension_numbers<[1], [0], [0], [1], [0, 0, 1, 1], [], []>, transpose_lhs_hint = false} : vector<512x256xf32>, vector<256x1024xf32>, vector<512x1024xf32> -> vector<512x1024xf32>
    %slice3A_313 = vector.extract_strided_slice %dot_general3A_312 {offsets = [0, 0], sizes = [512, 128], strides = [1, 1]} : vector<512x1024xf32> to vector<512x128xf32>
    %sub3A_314 = vector.broadcast %get3A_6 : vector<512x1xf32> to vector<512x128xf32>
    %sub3A_315 = arith.subf %sub3A_314, %slice3A_313 : vector<512x128xf32>
    %slice3A_316 = vector.extract_strided_slice %get3A_8 {offsets = [3072], sizes = [128], strides = [1]} : vector<8192xf32> to vector<128xf32>
    %broadcast_in_dim3A_317 = vector.shape_cast %slice3A_316 : vector<128xf32> to vector<1x128xf32>
    %add3A_318 = vector.broadcast %broadcast_in_dim3A_317 : vector<1x128xf32> to vector<512x128xf32>
    %add3A_319 = arith.addf %sub3A_315, %add3A_318 : vector<512x128xf32>
    %lt3A_320 = arith.cmpf olt, %add3A_319, %select_n3A_304 : vector<512x128xf32>
    %select_n3A_321 = arith.select %lt3A_320, %add3A_319, %select_n3A_304 : vector<512x128xi1>, vector<512x128xf32>
    %jit3A_322 = arith.constant 24 : i32
    %broadcast_in_dim3A_323 = vector.broadcast %jit3A_322 : i32 to vector<512x128xi32>
    %select_n3A_324 = arith.select %lt3A_320, %broadcast_in_dim3A_323, %select_n3A_307 : vector<512x128xi1>, vector<512x128xi32>
    %slice3A_325 = vector.extract_strided_slice %dot_general3A_312 {offsets = [0, 128], sizes = [512, 128], strides = [1, 1]} : vector<512x1024xf32> to vector<512x128xf32>
    %sub3A_326 = vector.broadcast %get3A_6 : vector<512x1xf32> to vector<512x128xf32>
    %sub3A_327 = arith.subf %sub3A_326, %slice3A_325 : vector<512x128xf32>
    %slice3A_328 = vector.extract_strided_slice %get3A_8 {offsets = [3200], sizes = [128], strides = [1]} : vector<8192xf32> to vector<128xf32>
    %broadcast_in_dim3A_329 = vector.shape_cast %slice3A_328 : vector<128xf32> to vector<1x128xf32>
    %add3A_330 = vector.broadcast %broadcast_in_dim3A_329 : vector<1x128xf32> to vector<512x128xf32>
    %add3A_331 = arith.addf %sub3A_327, %add3A_330 : vector<512x128xf32>
    %lt3A_332 = arith.cmpf olt, %add3A_331, %select_n3A_321 : vector<512x128xf32>
    %select_n3A_333 = arith.select %lt3A_332, %add3A_331, %select_n3A_321 : vector<512x128xi1>, vector<512x128xf32>
    %jit3A_334 = arith.constant 25 : i32
    %broadcast_in_dim3A_335 = vector.broadcast %jit3A_334 : i32 to vector<512x128xi32>
    %select_n3A_336 = arith.select %lt3A_332, %broadcast_in_dim3A_335, %select_n3A_324 : vector<512x128xi1>, vector<512x128xi32>
    %slice3A_337 = vector.extract_strided_slice %dot_general3A_312 {offsets = [0, 256], sizes = [512, 128], strides = [1, 1]} : vector<512x1024xf32> to vector<512x128xf32>
    %sub3A_338 = vector.broadcast %get3A_6 : vector<512x1xf32> to vector<512x128xf32>
    %sub3A_339 = arith.subf %sub3A_338, %slice3A_337 : vector<512x128xf32>
    %slice3A_340 = vector.extract_strided_slice %get3A_8 {offsets = [3328], sizes = [128], strides = [1]} : vector<8192xf32> to vector<128xf32>
    %broadcast_in_dim3A_341 = vector.shape_cast %slice3A_340 : vector<128xf32> to vector<1x128xf32>
    %add3A_342 = vector.broadcast %broadcast_in_dim3A_341 : vector<1x128xf32> to vector<512x128xf32>
    %add3A_343 = arith.addf %sub3A_339, %add3A_342 : vector<512x128xf32>
    %lt3A_344 = arith.cmpf olt, %add3A_343, %select_n3A_333 : vector<512x128xf32>
    %select_n3A_345 = arith.select %lt3A_344, %add3A_343, %select_n3A_333 : vector<512x128xi1>, vector<512x128xf32>
    %jit3A_346 = arith.constant 26 : i32
    %broadcast_in_dim3A_347 = vector.broadcast %jit3A_346 : i32 to vector<512x128xi32>
    %select_n3A_348 = arith.select %lt3A_344, %broadcast_in_dim3A_347, %select_n3A_336 : vector<512x128xi1>, vector<512x128xi32>
    %slice3A_349 = vector.extract_strided_slice %dot_general3A_312 {offsets = [0, 384], sizes = [512, 128], strides = [1, 1]} : vector<512x1024xf32> to vector<512x128xf32>
    %sub3A_350 = vector.broadcast %get3A_6 : vector<512x1xf32> to vector<512x128xf32>
    %sub3A_351 = arith.subf %sub3A_350, %slice3A_349 : vector<512x128xf32>
    %slice3A_352 = vector.extract_strided_slice %get3A_8 {offsets = [3456], sizes = [128], strides = [1]} : vector<8192xf32> to vector<128xf32>
    %broadcast_in_dim3A_353 = vector.shape_cast %slice3A_352 : vector<128xf32> to vector<1x128xf32>
    %add3A_354 = vector.broadcast %broadcast_in_dim3A_353 : vector<1x128xf32> to vector<512x128xf32>
    %add3A_355 = arith.addf %sub3A_351, %add3A_354 : vector<512x128xf32>
    %lt3A_356 = arith.cmpf olt, %add3A_355, %select_n3A_345 : vector<512x128xf32>
    %select_n3A_357 = arith.select %lt3A_356, %add3A_355, %select_n3A_345 : vector<512x128xi1>, vector<512x128xf32>
    %jit3A_358 = arith.constant 27 : i32
    %broadcast_in_dim3A_359 = vector.broadcast %jit3A_358 : i32 to vector<512x128xi32>
    %select_n3A_360 = arith.select %lt3A_356, %broadcast_in_dim3A_359, %select_n3A_348 : vector<512x128xi1>, vector<512x128xi32>
    %slice3A_361 = vector.extract_strided_slice %dot_general3A_312 {offsets = [0, 512], sizes = [512, 128], strides = [1, 1]} : vector<512x1024xf32> to vector<512x128xf32>
    %sub3A_362 = vector.broadcast %get3A_6 : vector<512x1xf32> to vector<512x128xf32>
    %sub3A_363 = arith.subf %sub3A_362, %slice3A_361 : vector<512x128xf32>
    %slice3A_364 = vector.extract_strided_slice %get3A_8 {offsets = [3584], sizes = [128], strides = [1]} : vector<8192xf32> to vector<128xf32>
    %broadcast_in_dim3A_365 = vector.shape_cast %slice3A_364 : vector<128xf32> to vector<1x128xf32>
    %add3A_366 = vector.broadcast %broadcast_in_dim3A_365 : vector<1x128xf32> to vector<512x128xf32>
    %add3A_367 = arith.addf %sub3A_363, %add3A_366 : vector<512x128xf32>
    %lt3A_368 = arith.cmpf olt, %add3A_367, %select_n3A_357 : vector<512x128xf32>
    %select_n3A_369 = arith.select %lt3A_368, %add3A_367, %select_n3A_357 : vector<512x128xi1>, vector<512x128xf32>
    %jit3A_370 = arith.constant 28 : i32
    %broadcast_in_dim3A_371 = vector.broadcast %jit3A_370 : i32 to vector<512x128xi32>
    %select_n3A_372 = arith.select %lt3A_368, %broadcast_in_dim3A_371, %select_n3A_360 : vector<512x128xi1>, vector<512x128xi32>
    %slice3A_373 = vector.extract_strided_slice %dot_general3A_312 {offsets = [0, 640], sizes = [512, 128], strides = [1, 1]} : vector<512x1024xf32> to vector<512x128xf32>
    %sub3A_374 = vector.broadcast %get3A_6 : vector<512x1xf32> to vector<512x128xf32>
    %sub3A_375 = arith.subf %sub3A_374, %slice3A_373 : vector<512x128xf32>
    %slice3A_376 = vector.extract_strided_slice %get3A_8 {offsets = [3712], sizes = [128], strides = [1]} : vector<8192xf32> to vector<128xf32>
    %broadcast_in_dim3A_377 = vector.shape_cast %slice3A_376 : vector<128xf32> to vector<1x128xf32>
    %add3A_378 = vector.broadcast %broadcast_in_dim3A_377 : vector<1x128xf32> to vector<512x128xf32>
    %add3A_379 = arith.addf %sub3A_375, %add3A_378 : vector<512x128xf32>
    %lt3A_380 = arith.cmpf olt, %add3A_379, %select_n3A_369 : vector<512x128xf32>
    %select_n3A_381 = arith.select %lt3A_380, %add3A_379, %select_n3A_369 : vector<512x128xi1>, vector<512x128xf32>
    %jit3A_382 = arith.constant 29 : i32
    %broadcast_in_dim3A_383 = vector.broadcast %jit3A_382 : i32 to vector<512x128xi32>
    %select_n3A_384 = arith.select %lt3A_380, %broadcast_in_dim3A_383, %select_n3A_372 : vector<512x128xi1>, vector<512x128xi32>
    %slice3A_385 = vector.extract_strided_slice %dot_general3A_312 {offsets = [0, 768], sizes = [512, 128], strides = [1, 1]} : vector<512x1024xf32> to vector<512x128xf32>
    %sub3A_386 = vector.broadcast %get3A_6 : vector<512x1xf32> to vector<512x128xf32>
    %sub3A_387 = arith.subf %sub3A_386, %slice3A_385 : vector<512x128xf32>
    %slice3A_388 = vector.extract_strided_slice %get3A_8 {offsets = [3840], sizes = [128], strides = [1]} : vector<8192xf32> to vector<128xf32>
    %broadcast_in_dim3A_389 = vector.shape_cast %slice3A_388 : vector<128xf32> to vector<1x128xf32>
    %add3A_390 = vector.broadcast %broadcast_in_dim3A_389 : vector<1x128xf32> to vector<512x128xf32>
    %add3A_391 = arith.addf %sub3A_387, %add3A_390 : vector<512x128xf32>
    %lt3A_392 = arith.cmpf olt, %add3A_391, %select_n3A_381 : vector<512x128xf32>
    %select_n3A_393 = arith.select %lt3A_392, %add3A_391, %select_n3A_381 : vector<512x128xi1>, vector<512x128xf32>
    %jit3A_394 = arith.constant 30 : i32
    %broadcast_in_dim3A_395 = vector.broadcast %jit3A_394 : i32 to vector<512x128xi32>
    %select_n3A_396 = arith.select %lt3A_392, %broadcast_in_dim3A_395, %select_n3A_384 : vector<512x128xi1>, vector<512x128xi32>
    %slice3A_397 = vector.extract_strided_slice %dot_general3A_312 {offsets = [0, 896], sizes = [512, 128], strides = [1, 1]} : vector<512x1024xf32> to vector<512x128xf32>
    %sub3A_398 = vector.broadcast %get3A_6 : vector<512x1xf32> to vector<512x128xf32>
    %sub3A_399 = arith.subf %sub3A_398, %slice3A_397 : vector<512x128xf32>
    %slice3A_400 = vector.extract_strided_slice %get3A_8 {offsets = [3968], sizes = [128], strides = [1]} : vector<8192xf32> to vector<128xf32>
    %broadcast_in_dim3A_401 = vector.shape_cast %slice3A_400 : vector<128xf32> to vector<1x128xf32>
    %add3A_402 = vector.broadcast %broadcast_in_dim3A_401 : vector<1x128xf32> to vector<512x128xf32>
    %add3A_403 = arith.addf %sub3A_399, %add3A_402 : vector<512x128xf32>
    %lt3A_404 = arith.cmpf olt, %add3A_403, %select_n3A_393 : vector<512x128xf32>
    %select_n3A_405 = arith.select %lt3A_404, %add3A_403, %select_n3A_393 : vector<512x128xi1>, vector<512x128xf32>
    %jit3A_406 = arith.constant 31 : i32
    %broadcast_in_dim3A_407 = vector.broadcast %jit3A_406 : i32 to vector<512x128xi32>
    %select_n3A_408 = arith.select %lt3A_404, %broadcast_in_dim3A_407, %select_n3A_396 : vector<512x128xi1>, vector<512x128xi32>
    %get3A_409 = arith.constant 0 : index
    %get3A_410 = arith.constant 4096 : index
    %get3A_411 = vector.load %arg7[%get3A_409, %get3A_410] : memref<256x8192xf32, #tpu.memory_space<vmem>>, vector<256x1024xf32>
    %dot_general3A_412 = arith.constant dense<0.000000e+00> : vector<512x1024xf32>
    %dot_general3A_413 = tpu.matmul %get3A_3, %get3A_411, %dot_general3A_412 {dimension_numbers = #tpu.dot_dimension_numbers<[1], [0], [0], [1], [0, 0, 1, 1], [], []>, transpose_lhs_hint = false} : vector<512x256xf32>, vector<256x1024xf32>, vector<512x1024xf32> -> vector<512x1024xf32>
    %slice3A_414 = vector.extract_strided_slice %dot_general3A_413 {offsets = [0, 0], sizes = [512, 128], strides = [1, 1]} : vector<512x1024xf32> to vector<512x128xf32>
    %sub3A_415 = vector.broadcast %get3A_6 : vector<512x1xf32> to vector<512x128xf32>
    %sub3A_416 = arith.subf %sub3A_415, %slice3A_414 : vector<512x128xf32>
    %slice3A_417 = vector.extract_strided_slice %get3A_8 {offsets = [4096], sizes = [128], strides = [1]} : vector<8192xf32> to vector<128xf32>
    %broadcast_in_dim3A_418 = vector.shape_cast %slice3A_417 : vector<128xf32> to vector<1x128xf32>
    %add3A_419 = vector.broadcast %broadcast_in_dim3A_418 : vector<1x128xf32> to vector<512x128xf32>
    %add3A_420 = arith.addf %sub3A_416, %add3A_419 : vector<512x128xf32>
    %lt3A_421 = arith.cmpf olt, %add3A_420, %select_n3A_405 : vector<512x128xf32>
    %select_n3A_422 = arith.select %lt3A_421, %add3A_420, %select_n3A_405 : vector<512x128xi1>, vector<512x128xf32>
    %jit3A_423 = arith.constant 32 : i32
    %broadcast_in_dim3A_424 = vector.broadcast %jit3A_423 : i32 to vector<512x128xi32>
    %select_n3A_425 = arith.select %lt3A_421, %broadcast_in_dim3A_424, %select_n3A_408 : vector<512x128xi1>, vector<512x128xi32>
    %slice3A_426 = vector.extract_strided_slice %dot_general3A_413 {offsets = [0, 128], sizes = [512, 128], strides = [1, 1]} : vector<512x1024xf32> to vector<512x128xf32>
    %sub3A_427 = vector.broadcast %get3A_6 : vector<512x1xf32> to vector<512x128xf32>
    %sub3A_428 = arith.subf %sub3A_427, %slice3A_426 : vector<512x128xf32>
    %slice3A_429 = vector.extract_strided_slice %get3A_8 {offsets = [4224], sizes = [128], strides = [1]} : vector<8192xf32> to vector<128xf32>
    %broadcast_in_dim3A_430 = vector.shape_cast %slice3A_429 : vector<128xf32> to vector<1x128xf32>
    %add3A_431 = vector.broadcast %broadcast_in_dim3A_430 : vector<1x128xf32> to vector<512x128xf32>
    %add3A_432 = arith.addf %sub3A_428, %add3A_431 : vector<512x128xf32>
    %lt3A_433 = arith.cmpf olt, %add3A_432, %select_n3A_422 : vector<512x128xf32>
    %select_n3A_434 = arith.select %lt3A_433, %add3A_432, %select_n3A_422 : vector<512x128xi1>, vector<512x128xf32>
    %jit3A_435 = arith.constant 33 : i32
    %broadcast_in_dim3A_436 = vector.broadcast %jit3A_435 : i32 to vector<512x128xi32>
    %select_n3A_437 = arith.select %lt3A_433, %broadcast_in_dim3A_436, %select_n3A_425 : vector<512x128xi1>, vector<512x128xi32>
    %slice3A_438 = vector.extract_strided_slice %dot_general3A_413 {offsets = [0, 256], sizes = [512, 128], strides = [1, 1]} : vector<512x1024xf32> to vector<512x128xf32>
    %sub3A_439 = vector.broadcast %get3A_6 : vector<512x1xf32> to vector<512x128xf32>
    %sub3A_440 = arith.subf %sub3A_439, %slice3A_438 : vector<512x128xf32>
    %slice3A_441 = vector.extract_strided_slice %get3A_8 {offsets = [4352], sizes = [128], strides = [1]} : vector<8192xf32> to vector<128xf32>
    %broadcast_in_dim3A_442 = vector.shape_cast %slice3A_441 : vector<128xf32> to vector<1x128xf32>
    %add3A_443 = vector.broadcast %broadcast_in_dim3A_442 : vector<1x128xf32> to vector<512x128xf32>
    %add3A_444 = arith.addf %sub3A_440, %add3A_443 : vector<512x128xf32>
    %lt3A_445 = arith.cmpf olt, %add3A_444, %select_n3A_434 : vector<512x128xf32>
    %select_n3A_446 = arith.select %lt3A_445, %add3A_444, %select_n3A_434 : vector<512x128xi1>, vector<512x128xf32>
    %jit3A_447 = arith.constant 34 : i32
    %broadcast_in_dim3A_448 = vector.broadcast %jit3A_447 : i32 to vector<512x128xi32>
    %select_n3A_449 = arith.select %lt3A_445, %broadcast_in_dim3A_448, %select_n3A_437 : vector<512x128xi1>, vector<512x128xi32>
    %slice3A_450 = vector.extract_strided_slice %dot_general3A_413 {offsets = [0, 384], sizes = [512, 128], strides = [1, 1]} : vector<512x1024xf32> to vector<512x128xf32>
    %sub3A_451 = vector.broadcast %get3A_6 : vector<512x1xf32> to vector<512x128xf32>
    %sub3A_452 = arith.subf %sub3A_451, %slice3A_450 : vector<512x128xf32>
    %slice3A_453 = vector.extract_strided_slice %get3A_8 {offsets = [4480], sizes = [128], strides = [1]} : vector<8192xf32> to vector<128xf32>
    %broadcast_in_dim3A_454 = vector.shape_cast %slice3A_453 : vector<128xf32> to vector<1x128xf32>
    %add3A_455 = vector.broadcast %broadcast_in_dim3A_454 : vector<1x128xf32> to vector<512x128xf32>
    %add3A_456 = arith.addf %sub3A_452, %add3A_455 : vector<512x128xf32>
    %lt3A_457 = arith.cmpf olt, %add3A_456, %select_n3A_446 : vector<512x128xf32>
    %select_n3A_458 = arith.select %lt3A_457, %add3A_456, %select_n3A_446 : vector<512x128xi1>, vector<512x128xf32>
    %jit3A_459 = arith.constant 35 : i32
    %broadcast_in_dim3A_460 = vector.broadcast %jit3A_459 : i32 to vector<512x128xi32>
    %select_n3A_461 = arith.select %lt3A_457, %broadcast_in_dim3A_460, %select_n3A_449 : vector<512x128xi1>, vector<512x128xi32>
    %slice3A_462 = vector.extract_strided_slice %dot_general3A_413 {offsets = [0, 512], sizes = [512, 128], strides = [1, 1]} : vector<512x1024xf32> to vector<512x128xf32>
    %sub3A_463 = vector.broadcast %get3A_6 : vector<512x1xf32> to vector<512x128xf32>
    %sub3A_464 = arith.subf %sub3A_463, %slice3A_462 : vector<512x128xf32>
    %slice3A_465 = vector.extract_strided_slice %get3A_8 {offsets = [4608], sizes = [128], strides = [1]} : vector<8192xf32> to vector<128xf32>
    %broadcast_in_dim3A_466 = vector.shape_cast %slice3A_465 : vector<128xf32> to vector<1x128xf32>
    %add3A_467 = vector.broadcast %broadcast_in_dim3A_466 : vector<1x128xf32> to vector<512x128xf32>
    %add3A_468 = arith.addf %sub3A_464, %add3A_467 : vector<512x128xf32>
    %lt3A_469 = arith.cmpf olt, %add3A_468, %select_n3A_458 : vector<512x128xf32>
    %select_n3A_470 = arith.select %lt3A_469, %add3A_468, %select_n3A_458 : vector<512x128xi1>, vector<512x128xf32>
    %jit3A_471 = arith.constant 36 : i32
    %broadcast_in_dim3A_472 = vector.broadcast %jit3A_471 : i32 to vector<512x128xi32>
    %select_n3A_473 = arith.select %lt3A_469, %broadcast_in_dim3A_472, %select_n3A_461 : vector<512x128xi1>, vector<512x128xi32>
    %slice3A_474 = vector.extract_strided_slice %dot_general3A_413 {offsets = [0, 640], sizes = [512, 128], strides = [1, 1]} : vector<512x1024xf32> to vector<512x128xf32>
    %sub3A_475 = vector.broadcast %get3A_6 : vector<512x1xf32> to vector<512x128xf32>
    %sub3A_476 = arith.subf %sub3A_475, %slice3A_474 : vector<512x128xf32>
    %slice3A_477 = vector.extract_strided_slice %get3A_8 {offsets = [4736], sizes = [128], strides = [1]} : vector<8192xf32> to vector<128xf32>
    %broadcast_in_dim3A_478 = vector.shape_cast %slice3A_477 : vector<128xf32> to vector<1x128xf32>
    %add3A_479 = vector.broadcast %broadcast_in_dim3A_478 : vector<1x128xf32> to vector<512x128xf32>
    %add3A_480 = arith.addf %sub3A_476, %add3A_479 : vector<512x128xf32>
    %lt3A_481 = arith.cmpf olt, %add3A_480, %select_n3A_470 : vector<512x128xf32>
    %select_n3A_482 = arith.select %lt3A_481, %add3A_480, %select_n3A_470 : vector<512x128xi1>, vector<512x128xf32>
    %jit3A_483 = arith.constant 37 : i32
    %broadcast_in_dim3A_484 = vector.broadcast %jit3A_483 : i32 to vector<512x128xi32>
    %select_n3A_485 = arith.select %lt3A_481, %broadcast_in_dim3A_484, %select_n3A_473 : vector<512x128xi1>, vector<512x128xi32>
    %slice3A_486 = vector.extract_strided_slice %dot_general3A_413 {offsets = [0, 768], sizes = [512, 128], strides = [1, 1]} : vector<512x1024xf32> to vector<512x128xf32>
    %sub3A_487 = vector.broadcast %get3A_6 : vector<512x1xf32> to vector<512x128xf32>
    %sub3A_488 = arith.subf %sub3A_487, %slice3A_486 : vector<512x128xf32>
    %slice3A_489 = vector.extract_strided_slice %get3A_8 {offsets = [4864], sizes = [128], strides = [1]} : vector<8192xf32> to vector<128xf32>
    %broadcast_in_dim3A_490 = vector.shape_cast %slice3A_489 : vector<128xf32> to vector<1x128xf32>
    %add3A_491 = vector.broadcast %broadcast_in_dim3A_490 : vector<1x128xf32> to vector<512x128xf32>
    %add3A_492 = arith.addf %sub3A_488, %add3A_491 : vector<512x128xf32>
    %lt3A_493 = arith.cmpf olt, %add3A_492, %select_n3A_482 : vector<512x128xf32>
    %select_n3A_494 = arith.select %lt3A_493, %add3A_492, %select_n3A_482 : vector<512x128xi1>, vector<512x128xf32>
    %jit3A_495 = arith.constant 38 : i32
    %broadcast_in_dim3A_496 = vector.broadcast %jit3A_495 : i32 to vector<512x128xi32>
    %select_n3A_497 = arith.select %lt3A_493, %broadcast_in_dim3A_496, %select_n3A_485 : vector<512x128xi1>, vector<512x128xi32>
    %slice3A_498 = vector.extract_strided_slice %dot_general3A_413 {offsets = [0, 896], sizes = [512, 128], strides = [1, 1]} : vector<512x1024xf32> to vector<512x128xf32>
    %sub3A_499 = vector.broadcast %get3A_6 : vector<512x1xf32> to vector<512x128xf32>
    %sub3A_500 = arith.subf %sub3A_499, %slice3A_498 : vector<512x128xf32>
    %slice3A_501 = vector.extract_strided_slice %get3A_8 {offsets = [4992], sizes = [128], strides = [1]} : vector<8192xf32> to vector<128xf32>
    %broadcast_in_dim3A_502 = vector.shape_cast %slice3A_501 : vector<128xf32> to vector<1x128xf32>
    %add3A_503 = vector.broadcast %broadcast_in_dim3A_502 : vector<1x128xf32> to vector<512x128xf32>
    %add3A_504 = arith.addf %sub3A_500, %add3A_503 : vector<512x128xf32>
    %lt3A_505 = arith.cmpf olt, %add3A_504, %select_n3A_494 : vector<512x128xf32>
    %select_n3A_506 = arith.select %lt3A_505, %add3A_504, %select_n3A_494 : vector<512x128xi1>, vector<512x128xf32>
    %jit3A_507 = arith.constant 39 : i32
    %broadcast_in_dim3A_508 = vector.broadcast %jit3A_507 : i32 to vector<512x128xi32>
    %select_n3A_509 = arith.select %lt3A_505, %broadcast_in_dim3A_508, %select_n3A_497 : vector<512x128xi1>, vector<512x128xi32>
    %get3A_510 = arith.constant 0 : index
    %get3A_511 = arith.constant 5120 : index
    %get3A_512 = vector.load %arg7[%get3A_510, %get3A_511] : memref<256x8192xf32, #tpu.memory_space<vmem>>, vector<256x1024xf32>
    %dot_general3A_513 = arith.constant dense<0.000000e+00> : vector<512x1024xf32>
    %dot_general3A_514 = tpu.matmul %get3A_3, %get3A_512, %dot_general3A_513 {dimension_numbers = #tpu.dot_dimension_numbers<[1], [0], [0], [1], [0, 0, 1, 1], [], []>, transpose_lhs_hint = false} : vector<512x256xf32>, vector<256x1024xf32>, vector<512x1024xf32> -> vector<512x1024xf32>
    %slice3A_515 = vector.extract_strided_slice %dot_general3A_514 {offsets = [0, 0], sizes = [512, 128], strides = [1, 1]} : vector<512x1024xf32> to vector<512x128xf32>
    %sub3A_516 = vector.broadcast %get3A_6 : vector<512x1xf32> to vector<512x128xf32>
    %sub3A_517 = arith.subf %sub3A_516, %slice3A_515 : vector<512x128xf32>
    %slice3A_518 = vector.extract_strided_slice %get3A_8 {offsets = [5120], sizes = [128], strides = [1]} : vector<8192xf32> to vector<128xf32>
    %broadcast_in_dim3A_519 = vector.shape_cast %slice3A_518 : vector<128xf32> to vector<1x128xf32>
    %add3A_520 = vector.broadcast %broadcast_in_dim3A_519 : vector<1x128xf32> to vector<512x128xf32>
    %add3A_521 = arith.addf %sub3A_517, %add3A_520 : vector<512x128xf32>
    %lt3A_522 = arith.cmpf olt, %add3A_521, %select_n3A_506 : vector<512x128xf32>
    %select_n3A_523 = arith.select %lt3A_522, %add3A_521, %select_n3A_506 : vector<512x128xi1>, vector<512x128xf32>
    %jit3A_524 = arith.constant 40 : i32
    %broadcast_in_dim3A_525 = vector.broadcast %jit3A_524 : i32 to vector<512x128xi32>
    %select_n3A_526 = arith.select %lt3A_522, %broadcast_in_dim3A_525, %select_n3A_509 : vector<512x128xi1>, vector<512x128xi32>
    %slice3A_527 = vector.extract_strided_slice %dot_general3A_514 {offsets = [0, 128], sizes = [512, 128], strides = [1, 1]} : vector<512x1024xf32> to vector<512x128xf32>
    %sub3A_528 = vector.broadcast %get3A_6 : vector<512x1xf32> to vector<512x128xf32>
    %sub3A_529 = arith.subf %sub3A_528, %slice3A_527 : vector<512x128xf32>
    %slice3A_530 = vector.extract_strided_slice %get3A_8 {offsets = [5248], sizes = [128], strides = [1]} : vector<8192xf32> to vector<128xf32>
    %broadcast_in_dim3A_531 = vector.shape_cast %slice3A_530 : vector<128xf32> to vector<1x128xf32>
    %add3A_532 = vector.broadcast %broadcast_in_dim3A_531 : vector<1x128xf32> to vector<512x128xf32>
    %add3A_533 = arith.addf %sub3A_529, %add3A_532 : vector<512x128xf32>
    %lt3A_534 = arith.cmpf olt, %add3A_533, %select_n3A_523 : vector<512x128xf32>
    %select_n3A_535 = arith.select %lt3A_534, %add3A_533, %select_n3A_523 : vector<512x128xi1>, vector<512x128xf32>
    %jit3A_536 = arith.constant 41 : i32
    %broadcast_in_dim3A_537 = vector.broadcast %jit3A_536 : i32 to vector<512x128xi32>
    %select_n3A_538 = arith.select %lt3A_534, %broadcast_in_dim3A_537, %select_n3A_526 : vector<512x128xi1>, vector<512x128xi32>
    %slice3A_539 = vector.extract_strided_slice %dot_general3A_514 {offsets = [0, 256], sizes = [512, 128], strides = [1, 1]} : vector<512x1024xf32> to vector<512x128xf32>
    %sub3A_540 = vector.broadcast %get3A_6 : vector<512x1xf32> to vector<512x128xf32>
    %sub3A_541 = arith.subf %sub3A_540, %slice3A_539 : vector<512x128xf32>
    %slice3A_542 = vector.extract_strided_slice %get3A_8 {offsets = [5376], sizes = [128], strides = [1]} : vector<8192xf32> to vector<128xf32>
    %broadcast_in_dim3A_543 = vector.shape_cast %slice3A_542 : vector<128xf32> to vector<1x128xf32>
    %add3A_544 = vector.broadcast %broadcast_in_dim3A_543 : vector<1x128xf32> to vector<512x128xf32>
    %add3A_545 = arith.addf %sub3A_541, %add3A_544 : vector<512x128xf32>
    %lt3A_546 = arith.cmpf olt, %add3A_545, %select_n3A_535 : vector<512x128xf32>
    %select_n3A_547 = arith.select %lt3A_546, %add3A_545, %select_n3A_535 : vector<512x128xi1>, vector<512x128xf32>
    %jit3A_548 = arith.constant 42 : i32
    %broadcast_in_dim3A_549 = vector.broadcast %jit3A_548 : i32 to vector<512x128xi32>
    %select_n3A_550 = arith.select %lt3A_546, %broadcast_in_dim3A_549, %select_n3A_538 : vector<512x128xi1>, vector<512x128xi32>
    %slice3A_551 = vector.extract_strided_slice %dot_general3A_514 {offsets = [0, 384], sizes = [512, 128], strides = [1, 1]} : vector<512x1024xf32> to vector<512x128xf32>
    %sub3A_552 = vector.broadcast %get3A_6 : vector<512x1xf32> to vector<512x128xf32>
    %sub3A_553 = arith.subf %sub3A_552, %slice3A_551 : vector<512x128xf32>
    %slice3A_554 = vector.extract_strided_slice %get3A_8 {offsets = [5504], sizes = [128], strides = [1]} : vector<8192xf32> to vector<128xf32>
    %broadcast_in_dim3A_555 = vector.shape_cast %slice3A_554 : vector<128xf32> to vector<1x128xf32>
    %add3A_556 = vector.broadcast %broadcast_in_dim3A_555 : vector<1x128xf32> to vector<512x128xf32>
    %add3A_557 = arith.addf %sub3A_553, %add3A_556 : vector<512x128xf32>
    %lt3A_558 = arith.cmpf olt, %add3A_557, %select_n3A_547 : vector<512x128xf32>
    %select_n3A_559 = arith.select %lt3A_558, %add3A_557, %select_n3A_547 : vector<512x128xi1>, vector<512x128xf32>
    %jit3A_560 = arith.constant 43 : i32
    %broadcast_in_dim3A_561 = vector.broadcast %jit3A_560 : i32 to vector<512x128xi32>
    %select_n3A_562 = arith.select %lt3A_558, %broadcast_in_dim3A_561, %select_n3A_550 : vector<512x128xi1>, vector<512x128xi32>
    %slice3A_563 = vector.extract_strided_slice %dot_general3A_514 {offsets = [0, 512], sizes = [512, 128], strides = [1, 1]} : vector<512x1024xf32> to vector<512x128xf32>
    %sub3A_564 = vector.broadcast %get3A_6 : vector<512x1xf32> to vector<512x128xf32>
    %sub3A_565 = arith.subf %sub3A_564, %slice3A_563 : vector<512x128xf32>
    %slice3A_566 = vector.extract_strided_slice %get3A_8 {offsets = [5632], sizes = [128], strides = [1]} : vector<8192xf32> to vector<128xf32>
    %broadcast_in_dim3A_567 = vector.shape_cast %slice3A_566 : vector<128xf32> to vector<1x128xf32>
    %add3A_568 = vector.broadcast %broadcast_in_dim3A_567 : vector<1x128xf32> to vector<512x128xf32>
    %add3A_569 = arith.addf %sub3A_565, %add3A_568 : vector<512x128xf32>
    %lt3A_570 = arith.cmpf olt, %add3A_569, %select_n3A_559 : vector<512x128xf32>
    %select_n3A_571 = arith.select %lt3A_570, %add3A_569, %select_n3A_559 : vector<512x128xi1>, vector<512x128xf32>
    %jit3A_572 = arith.constant 44 : i32
    %broadcast_in_dim3A_573 = vector.broadcast %jit3A_572 : i32 to vector<512x128xi32>
    %select_n3A_574 = arith.select %lt3A_570, %broadcast_in_dim3A_573, %select_n3A_562 : vector<512x128xi1>, vector<512x128xi32>
    %slice3A_575 = vector.extract_strided_slice %dot_general3A_514 {offsets = [0, 640], sizes = [512, 128], strides = [1, 1]} : vector<512x1024xf32> to vector<512x128xf32>
    %sub3A_576 = vector.broadcast %get3A_6 : vector<512x1xf32> to vector<512x128xf32>
    %sub3A_577 = arith.subf %sub3A_576, %slice3A_575 : vector<512x128xf32>
    %slice3A_578 = vector.extract_strided_slice %get3A_8 {offsets = [5760], sizes = [128], strides = [1]} : vector<8192xf32> to vector<128xf32>
    %broadcast_in_dim3A_579 = vector.shape_cast %slice3A_578 : vector<128xf32> to vector<1x128xf32>
    %add3A_580 = vector.broadcast %broadcast_in_dim3A_579 : vector<1x128xf32> to vector<512x128xf32>
    %add3A_581 = arith.addf %sub3A_577, %add3A_580 : vector<512x128xf32>
    %lt3A_582 = arith.cmpf olt, %add3A_581, %select_n3A_571 : vector<512x128xf32>
    %select_n3A_583 = arith.select %lt3A_582, %add3A_581, %select_n3A_571 : vector<512x128xi1>, vector<512x128xf32>
    %jit3A_584 = arith.constant 45 : i32
    %broadcast_in_dim3A_585 = vector.broadcast %jit3A_584 : i32 to vector<512x128xi32>
    %select_n3A_586 = arith.select %lt3A_582, %broadcast_in_dim3A_585, %select_n3A_574 : vector<512x128xi1>, vector<512x128xi32>
    %slice3A_587 = vector.extract_strided_slice %dot_general3A_514 {offsets = [0, 768], sizes = [512, 128], strides = [1, 1]} : vector<512x1024xf32> to vector<512x128xf32>
    %sub3A_588 = vector.broadcast %get3A_6 : vector<512x1xf32> to vector<512x128xf32>
    %sub3A_589 = arith.subf %sub3A_588, %slice3A_587 : vector<512x128xf32>
    %slice3A_590 = vector.extract_strided_slice %get3A_8 {offsets = [5888], sizes = [128], strides = [1]} : vector<8192xf32> to vector<128xf32>
    %broadcast_in_dim3A_591 = vector.shape_cast %slice3A_590 : vector<128xf32> to vector<1x128xf32>
    %add3A_592 = vector.broadcast %broadcast_in_dim3A_591 : vector<1x128xf32> to vector<512x128xf32>
    %add3A_593 = arith.addf %sub3A_589, %add3A_592 : vector<512x128xf32>
    %lt3A_594 = arith.cmpf olt, %add3A_593, %select_n3A_583 : vector<512x128xf32>
    %select_n3A_595 = arith.select %lt3A_594, %add3A_593, %select_n3A_583 : vector<512x128xi1>, vector<512x128xf32>
    %jit3A_596 = arith.constant 46 : i32
    %broadcast_in_dim3A_597 = vector.broadcast %jit3A_596 : i32 to vector<512x128xi32>
    %select_n3A_598 = arith.select %lt3A_594, %broadcast_in_dim3A_597, %select_n3A_586 : vector<512x128xi1>, vector<512x128xi32>
    %slice3A_599 = vector.extract_strided_slice %dot_general3A_514 {offsets = [0, 896], sizes = [512, 128], strides = [1, 1]} : vector<512x1024xf32> to vector<512x128xf32>
    %sub3A_600 = vector.broadcast %get3A_6 : vector<512x1xf32> to vector<512x128xf32>
    %sub3A_601 = arith.subf %sub3A_600, %slice3A_599 : vector<512x128xf32>
    %slice3A_602 = vector.extract_strided_slice %get3A_8 {offsets = [6016], sizes = [128], strides = [1]} : vector<8192xf32> to vector<128xf32>
    %broadcast_in_dim3A_603 = vector.shape_cast %slice3A_602 : vector<128xf32> to vector<1x128xf32>
    %add3A_604 = vector.broadcast %broadcast_in_dim3A_603 : vector<1x128xf32> to vector<512x128xf32>
    %add3A_605 = arith.addf %sub3A_601, %add3A_604 : vector<512x128xf32>
    %lt3A_606 = arith.cmpf olt, %add3A_605, %select_n3A_595 : vector<512x128xf32>
    %select_n3A_607 = arith.select %lt3A_606, %add3A_605, %select_n3A_595 : vector<512x128xi1>, vector<512x128xf32>
    %jit3A_608 = arith.constant 47 : i32
    %broadcast_in_dim3A_609 = vector.broadcast %jit3A_608 : i32 to vector<512x128xi32>
    %select_n3A_610 = arith.select %lt3A_606, %broadcast_in_dim3A_609, %select_n3A_598 : vector<512x128xi1>, vector<512x128xi32>
    %get3A_611 = arith.constant 0 : index
    %get3A_612 = arith.constant 6144 : index
    %get3A_613 = vector.load %arg7[%get3A_611, %get3A_612] : memref<256x8192xf32, #tpu.memory_space<vmem>>, vector<256x1024xf32>
    %dot_general3A_614 = arith.constant dense<0.000000e+00> : vector<512x1024xf32>
    %dot_general3A_615 = tpu.matmul %get3A_3, %get3A_613, %dot_general3A_614 {dimension_numbers = #tpu.dot_dimension_numbers<[1], [0], [0], [1], [0, 0, 1, 1], [], []>, transpose_lhs_hint = false} : vector<512x256xf32>, vector<256x1024xf32>, vector<512x1024xf32> -> vector<512x1024xf32>
    %slice3A_616 = vector.extract_strided_slice %dot_general3A_615 {offsets = [0, 0], sizes = [512, 128], strides = [1, 1]} : vector<512x1024xf32> to vector<512x128xf32>
    %sub3A_617 = vector.broadcast %get3A_6 : vector<512x1xf32> to vector<512x128xf32>
    %sub3A_618 = arith.subf %sub3A_617, %slice3A_616 : vector<512x128xf32>
    %slice3A_619 = vector.extract_strided_slice %get3A_8 {offsets = [6144], sizes = [128], strides = [1]} : vector<8192xf32> to vector<128xf32>
    %broadcast_in_dim3A_620 = vector.shape_cast %slice3A_619 : vector<128xf32> to vector<1x128xf32>
    %add3A_621 = vector.broadcast %broadcast_in_dim3A_620 : vector<1x128xf32> to vector<512x128xf32>
    %add3A_622 = arith.addf %sub3A_618, %add3A_621 : vector<512x128xf32>
    %lt3A_623 = arith.cmpf olt, %add3A_622, %select_n3A_607 : vector<512x128xf32>
    %select_n3A_624 = arith.select %lt3A_623, %add3A_622, %select_n3A_607 : vector<512x128xi1>, vector<512x128xf32>
    %jit3A_625 = arith.constant 48 : i32
    %broadcast_in_dim3A_626 = vector.broadcast %jit3A_625 : i32 to vector<512x128xi32>
    %select_n3A_627 = arith.select %lt3A_623, %broadcast_in_dim3A_626, %select_n3A_610 : vector<512x128xi1>, vector<512x128xi32>
    %slice3A_628 = vector.extract_strided_slice %dot_general3A_615 {offsets = [0, 128], sizes = [512, 128], strides = [1, 1]} : vector<512x1024xf32> to vector<512x128xf32>
    %sub3A_629 = vector.broadcast %get3A_6 : vector<512x1xf32> to vector<512x128xf32>
    %sub3A_630 = arith.subf %sub3A_629, %slice3A_628 : vector<512x128xf32>
    %slice3A_631 = vector.extract_strided_slice %get3A_8 {offsets = [6272], sizes = [128], strides = [1]} : vector<8192xf32> to vector<128xf32>
    %broadcast_in_dim3A_632 = vector.shape_cast %slice3A_631 : vector<128xf32> to vector<1x128xf32>
    %add3A_633 = vector.broadcast %broadcast_in_dim3A_632 : vector<1x128xf32> to vector<512x128xf32>
    %add3A_634 = arith.addf %sub3A_630, %add3A_633 : vector<512x128xf32>
    %lt3A_635 = arith.cmpf olt, %add3A_634, %select_n3A_624 : vector<512x128xf32>
    %select_n3A_636 = arith.select %lt3A_635, %add3A_634, %select_n3A_624 : vector<512x128xi1>, vector<512x128xf32>
    %jit3A_637 = arith.constant 49 : i32
    %broadcast_in_dim3A_638 = vector.broadcast %jit3A_637 : i32 to vector<512x128xi32>
    %select_n3A_639 = arith.select %lt3A_635, %broadcast_in_dim3A_638, %select_n3A_627 : vector<512x128xi1>, vector<512x128xi32>
    %slice3A_640 = vector.extract_strided_slice %dot_general3A_615 {offsets = [0, 256], sizes = [512, 128], strides = [1, 1]} : vector<512x1024xf32> to vector<512x128xf32>
    %sub3A_641 = vector.broadcast %get3A_6 : vector<512x1xf32> to vector<512x128xf32>
    %sub3A_642 = arith.subf %sub3A_641, %slice3A_640 : vector<512x128xf32>
    %slice3A_643 = vector.extract_strided_slice %get3A_8 {offsets = [6400], sizes = [128], strides = [1]} : vector<8192xf32> to vector<128xf32>
    %broadcast_in_dim3A_644 = vector.shape_cast %slice3A_643 : vector<128xf32> to vector<1x128xf32>
    %add3A_645 = vector.broadcast %broadcast_in_dim3A_644 : vector<1x128xf32> to vector<512x128xf32>
    %add3A_646 = arith.addf %sub3A_642, %add3A_645 : vector<512x128xf32>
    %lt3A_647 = arith.cmpf olt, %add3A_646, %select_n3A_636 : vector<512x128xf32>
    %select_n3A_648 = arith.select %lt3A_647, %add3A_646, %select_n3A_636 : vector<512x128xi1>, vector<512x128xf32>
    %jit3A_649 = arith.constant 50 : i32
    %broadcast_in_dim3A_650 = vector.broadcast %jit3A_649 : i32 to vector<512x128xi32>
    %select_n3A_651 = arith.select %lt3A_647, %broadcast_in_dim3A_650, %select_n3A_639 : vector<512x128xi1>, vector<512x128xi32>
    %slice3A_652 = vector.extract_strided_slice %dot_general3A_615 {offsets = [0, 384], sizes = [512, 128], strides = [1, 1]} : vector<512x1024xf32> to vector<512x128xf32>
    %sub3A_653 = vector.broadcast %get3A_6 : vector<512x1xf32> to vector<512x128xf32>
    %sub3A_654 = arith.subf %sub3A_653, %slice3A_652 : vector<512x128xf32>
    %slice3A_655 = vector.extract_strided_slice %get3A_8 {offsets = [6528], sizes = [128], strides = [1]} : vector<8192xf32> to vector<128xf32>
    %broadcast_in_dim3A_656 = vector.shape_cast %slice3A_655 : vector<128xf32> to vector<1x128xf32>
    %add3A_657 = vector.broadcast %broadcast_in_dim3A_656 : vector<1x128xf32> to vector<512x128xf32>
    %add3A_658 = arith.addf %sub3A_654, %add3A_657 : vector<512x128xf32>
    %lt3A_659 = arith.cmpf olt, %add3A_658, %select_n3A_648 : vector<512x128xf32>
    %select_n3A_660 = arith.select %lt3A_659, %add3A_658, %select_n3A_648 : vector<512x128xi1>, vector<512x128xf32>
    %jit3A_661 = arith.constant 51 : i32
    %broadcast_in_dim3A_662 = vector.broadcast %jit3A_661 : i32 to vector<512x128xi32>
    %select_n3A_663 = arith.select %lt3A_659, %broadcast_in_dim3A_662, %select_n3A_651 : vector<512x128xi1>, vector<512x128xi32>
    %slice3A_664 = vector.extract_strided_slice %dot_general3A_615 {offsets = [0, 512], sizes = [512, 128], strides = [1, 1]} : vector<512x1024xf32> to vector<512x128xf32>
    %sub3A_665 = vector.broadcast %get3A_6 : vector<512x1xf32> to vector<512x128xf32>
    %sub3A_666 = arith.subf %sub3A_665, %slice3A_664 : vector<512x128xf32>
    %slice3A_667 = vector.extract_strided_slice %get3A_8 {offsets = [6656], sizes = [128], strides = [1]} : vector<8192xf32> to vector<128xf32>
    %broadcast_in_dim3A_668 = vector.shape_cast %slice3A_667 : vector<128xf32> to vector<1x128xf32>
    %add3A_669 = vector.broadcast %broadcast_in_dim3A_668 : vector<1x128xf32> to vector<512x128xf32>
    %add3A_670 = arith.addf %sub3A_666, %add3A_669 : vector<512x128xf32>
    %lt3A_671 = arith.cmpf olt, %add3A_670, %select_n3A_660 : vector<512x128xf32>
    %select_n3A_672 = arith.select %lt3A_671, %add3A_670, %select_n3A_660 : vector<512x128xi1>, vector<512x128xf32>
    %jit3A_673 = arith.constant 52 : i32
    %broadcast_in_dim3A_674 = vector.broadcast %jit3A_673 : i32 to vector<512x128xi32>
    %select_n3A_675 = arith.select %lt3A_671, %broadcast_in_dim3A_674, %select_n3A_663 : vector<512x128xi1>, vector<512x128xi32>
    %slice3A_676 = vector.extract_strided_slice %dot_general3A_615 {offsets = [0, 640], sizes = [512, 128], strides = [1, 1]} : vector<512x1024xf32> to vector<512x128xf32>
    %sub3A_677 = vector.broadcast %get3A_6 : vector<512x1xf32> to vector<512x128xf32>
    %sub3A_678 = arith.subf %sub3A_677, %slice3A_676 : vector<512x128xf32>
    %slice3A_679 = vector.extract_strided_slice %get3A_8 {offsets = [6784], sizes = [128], strides = [1]} : vector<8192xf32> to vector<128xf32>
    %broadcast_in_dim3A_680 = vector.shape_cast %slice3A_679 : vector<128xf32> to vector<1x128xf32>
    %add3A_681 = vector.broadcast %broadcast_in_dim3A_680 : vector<1x128xf32> to vector<512x128xf32>
    %add3A_682 = arith.addf %sub3A_678, %add3A_681 : vector<512x128xf32>
    %lt3A_683 = arith.cmpf olt, %add3A_682, %select_n3A_672 : vector<512x128xf32>
    %select_n3A_684 = arith.select %lt3A_683, %add3A_682, %select_n3A_672 : vector<512x128xi1>, vector<512x128xf32>
    %jit3A_685 = arith.constant 53 : i32
    %broadcast_in_dim3A_686 = vector.broadcast %jit3A_685 : i32 to vector<512x128xi32>
    %select_n3A_687 = arith.select %lt3A_683, %broadcast_in_dim3A_686, %select_n3A_675 : vector<512x128xi1>, vector<512x128xi32>
    %slice3A_688 = vector.extract_strided_slice %dot_general3A_615 {offsets = [0, 768], sizes = [512, 128], strides = [1, 1]} : vector<512x1024xf32> to vector<512x128xf32>
    %sub3A_689 = vector.broadcast %get3A_6 : vector<512x1xf32> to vector<512x128xf32>
    %sub3A_690 = arith.subf %sub3A_689, %slice3A_688 : vector<512x128xf32>
    %slice3A_691 = vector.extract_strided_slice %get3A_8 {offsets = [6912], sizes = [128], strides = [1]} : vector<8192xf32> to vector<128xf32>
    %broadcast_in_dim3A_692 = vector.shape_cast %slice3A_691 : vector<128xf32> to vector<1x128xf32>
    %add3A_693 = vector.broadcast %broadcast_in_dim3A_692 : vector<1x128xf32> to vector<512x128xf32>
    %add3A_694 = arith.addf %sub3A_690, %add3A_693 : vector<512x128xf32>
    %lt3A_695 = arith.cmpf olt, %add3A_694, %select_n3A_684 : vector<512x128xf32>
    %select_n3A_696 = arith.select %lt3A_695, %add3A_694, %select_n3A_684 : vector<512x128xi1>, vector<512x128xf32>
    %jit3A_697 = arith.constant 54 : i32
    %broadcast_in_dim3A_698 = vector.broadcast %jit3A_697 : i32 to vector<512x128xi32>
    %select_n3A_699 = arith.select %lt3A_695, %broadcast_in_dim3A_698, %select_n3A_687 : vector<512x128xi1>, vector<512x128xi32>
    %slice3A_700 = vector.extract_strided_slice %dot_general3A_615 {offsets = [0, 896], sizes = [512, 128], strides = [1, 1]} : vector<512x1024xf32> to vector<512x128xf32>
    %sub3A_701 = vector.broadcast %get3A_6 : vector<512x1xf32> to vector<512x128xf32>
    %sub3A_702 = arith.subf %sub3A_701, %slice3A_700 : vector<512x128xf32>
    %slice3A_703 = vector.extract_strided_slice %get3A_8 {offsets = [7040], sizes = [128], strides = [1]} : vector<8192xf32> to vector<128xf32>
    %broadcast_in_dim3A_704 = vector.shape_cast %slice3A_703 : vector<128xf32> to vector<1x128xf32>
    %add3A_705 = vector.broadcast %broadcast_in_dim3A_704 : vector<1x128xf32> to vector<512x128xf32>
    %add3A_706 = arith.addf %sub3A_702, %add3A_705 : vector<512x128xf32>
    %lt3A_707 = arith.cmpf olt, %add3A_706, %select_n3A_696 : vector<512x128xf32>
    %select_n3A_708 = arith.select %lt3A_707, %add3A_706, %select_n3A_696 : vector<512x128xi1>, vector<512x128xf32>
    %jit3A_709 = arith.constant 55 : i32
    %broadcast_in_dim3A_710 = vector.broadcast %jit3A_709 : i32 to vector<512x128xi32>
    %select_n3A_711 = arith.select %lt3A_707, %broadcast_in_dim3A_710, %select_n3A_699 : vector<512x128xi1>, vector<512x128xi32>
    %get3A_712 = arith.constant 0 : index
    %get3A_713 = arith.constant 7168 : index
    %get3A_714 = vector.load %arg7[%get3A_712, %get3A_713] : memref<256x8192xf32, #tpu.memory_space<vmem>>, vector<256x1024xf32>
    %dot_general3A_715 = arith.constant dense<0.000000e+00> : vector<512x1024xf32>
    %dot_general3A_716 = tpu.matmul %get3A_3, %get3A_714, %dot_general3A_715 {dimension_numbers = #tpu.dot_dimension_numbers<[1], [0], [0], [1], [0, 0, 1, 1], [], []>, transpose_lhs_hint = false} : vector<512x256xf32>, vector<256x1024xf32>, vector<512x1024xf32> -> vector<512x1024xf32>
    %slice3A_717 = vector.extract_strided_slice %dot_general3A_716 {offsets = [0, 0], sizes = [512, 128], strides = [1, 1]} : vector<512x1024xf32> to vector<512x128xf32>
    %sub3A_718 = vector.broadcast %get3A_6 : vector<512x1xf32> to vector<512x128xf32>
    %sub3A_719 = arith.subf %sub3A_718, %slice3A_717 : vector<512x128xf32>
    %slice3A_720 = vector.extract_strided_slice %get3A_8 {offsets = [7168], sizes = [128], strides = [1]} : vector<8192xf32> to vector<128xf32>
    %broadcast_in_dim3A_721 = vector.shape_cast %slice3A_720 : vector<128xf32> to vector<1x128xf32>
    %add3A_722 = vector.broadcast %broadcast_in_dim3A_721 : vector<1x128xf32> to vector<512x128xf32>
    %add3A_723 = arith.addf %sub3A_719, %add3A_722 : vector<512x128xf32>
    %lt3A_724 = arith.cmpf olt, %add3A_723, %select_n3A_708 : vector<512x128xf32>
    %select_n3A_725 = arith.select %lt3A_724, %add3A_723, %select_n3A_708 : vector<512x128xi1>, vector<512x128xf32>
    %jit3A_726 = arith.constant 56 : i32
    %broadcast_in_dim3A_727 = vector.broadcast %jit3A_726 : i32 to vector<512x128xi32>
    %select_n3A_728 = arith.select %lt3A_724, %broadcast_in_dim3A_727, %select_n3A_711 : vector<512x128xi1>, vector<512x128xi32>
    %slice3A_729 = vector.extract_strided_slice %dot_general3A_716 {offsets = [0, 128], sizes = [512, 128], strides = [1, 1]} : vector<512x1024xf32> to vector<512x128xf32>
    %sub3A_730 = vector.broadcast %get3A_6 : vector<512x1xf32> to vector<512x128xf32>
    %sub3A_731 = arith.subf %sub3A_730, %slice3A_729 : vector<512x128xf32>
    %slice3A_732 = vector.extract_strided_slice %get3A_8 {offsets = [7296], sizes = [128], strides = [1]} : vector<8192xf32> to vector<128xf32>
    %broadcast_in_dim3A_733 = vector.shape_cast %slice3A_732 : vector<128xf32> to vector<1x128xf32>
    %add3A_734 = vector.broadcast %broadcast_in_dim3A_733 : vector<1x128xf32> to vector<512x128xf32>
    %add3A_735 = arith.addf %sub3A_731, %add3A_734 : vector<512x128xf32>
    %lt3A_736 = arith.cmpf olt, %add3A_735, %select_n3A_725 : vector<512x128xf32>
    %select_n3A_737 = arith.select %lt3A_736, %add3A_735, %select_n3A_725 : vector<512x128xi1>, vector<512x128xf32>
    %jit3A_738 = arith.constant 57 : i32
    %broadcast_in_dim3A_739 = vector.broadcast %jit3A_738 : i32 to vector<512x128xi32>
    %select_n3A_740 = arith.select %lt3A_736, %broadcast_in_dim3A_739, %select_n3A_728 : vector<512x128xi1>, vector<512x128xi32>
    %slice3A_741 = vector.extract_strided_slice %dot_general3A_716 {offsets = [0, 256], sizes = [512, 128], strides = [1, 1]} : vector<512x1024xf32> to vector<512x128xf32>
    %sub3A_742 = vector.broadcast %get3A_6 : vector<512x1xf32> to vector<512x128xf32>
    %sub3A_743 = arith.subf %sub3A_742, %slice3A_741 : vector<512x128xf32>
    %slice3A_744 = vector.extract_strided_slice %get3A_8 {offsets = [7424], sizes = [128], strides = [1]} : vector<8192xf32> to vector<128xf32>
    %broadcast_in_dim3A_745 = vector.shape_cast %slice3A_744 : vector<128xf32> to vector<1x128xf32>
    %add3A_746 = vector.broadcast %broadcast_in_dim3A_745 : vector<1x128xf32> to vector<512x128xf32>
    %add3A_747 = arith.addf %sub3A_743, %add3A_746 : vector<512x128xf32>
    %lt3A_748 = arith.cmpf olt, %add3A_747, %select_n3A_737 : vector<512x128xf32>
    %select_n3A_749 = arith.select %lt3A_748, %add3A_747, %select_n3A_737 : vector<512x128xi1>, vector<512x128xf32>
    %jit3A_750 = arith.constant 58 : i32
    %broadcast_in_dim3A_751 = vector.broadcast %jit3A_750 : i32 to vector<512x128xi32>
    %select_n3A_752 = arith.select %lt3A_748, %broadcast_in_dim3A_751, %select_n3A_740 : vector<512x128xi1>, vector<512x128xi32>
    %slice3A_753 = vector.extract_strided_slice %dot_general3A_716 {offsets = [0, 384], sizes = [512, 128], strides = [1, 1]} : vector<512x1024xf32> to vector<512x128xf32>
    %sub3A_754 = vector.broadcast %get3A_6 : vector<512x1xf32> to vector<512x128xf32>
    %sub3A_755 = arith.subf %sub3A_754, %slice3A_753 : vector<512x128xf32>
    %slice3A_756 = vector.extract_strided_slice %get3A_8 {offsets = [7552], sizes = [128], strides = [1]} : vector<8192xf32> to vector<128xf32>
    %broadcast_in_dim3A_757 = vector.shape_cast %slice3A_756 : vector<128xf32> to vector<1x128xf32>
    %add3A_758 = vector.broadcast %broadcast_in_dim3A_757 : vector<1x128xf32> to vector<512x128xf32>
    %add3A_759 = arith.addf %sub3A_755, %add3A_758 : vector<512x128xf32>
    %lt3A_760 = arith.cmpf olt, %add3A_759, %select_n3A_749 : vector<512x128xf32>
    %select_n3A_761 = arith.select %lt3A_760, %add3A_759, %select_n3A_749 : vector<512x128xi1>, vector<512x128xf32>
    %jit3A_762 = arith.constant 59 : i32
    %broadcast_in_dim3A_763 = vector.broadcast %jit3A_762 : i32 to vector<512x128xi32>
    %select_n3A_764 = arith.select %lt3A_760, %broadcast_in_dim3A_763, %select_n3A_752 : vector<512x128xi1>, vector<512x128xi32>
    %slice3A_765 = vector.extract_strided_slice %dot_general3A_716 {offsets = [0, 512], sizes = [512, 128], strides = [1, 1]} : vector<512x1024xf32> to vector<512x128xf32>
    %sub3A_766 = vector.broadcast %get3A_6 : vector<512x1xf32> to vector<512x128xf32>
    %sub3A_767 = arith.subf %sub3A_766, %slice3A_765 : vector<512x128xf32>
    %slice3A_768 = vector.extract_strided_slice %get3A_8 {offsets = [7680], sizes = [128], strides = [1]} : vector<8192xf32> to vector<128xf32>
    %broadcast_in_dim3A_769 = vector.shape_cast %slice3A_768 : vector<128xf32> to vector<1x128xf32>
    %add3A_770 = vector.broadcast %broadcast_in_dim3A_769 : vector<1x128xf32> to vector<512x128xf32>
    %add3A_771 = arith.addf %sub3A_767, %add3A_770 : vector<512x128xf32>
    %lt3A_772 = arith.cmpf olt, %add3A_771, %select_n3A_761 : vector<512x128xf32>
    %select_n3A_773 = arith.select %lt3A_772, %add3A_771, %select_n3A_761 : vector<512x128xi1>, vector<512x128xf32>
    %jit3A_774 = arith.constant 60 : i32
    %broadcast_in_dim3A_775 = vector.broadcast %jit3A_774 : i32 to vector<512x128xi32>
    %select_n3A_776 = arith.select %lt3A_772, %broadcast_in_dim3A_775, %select_n3A_764 : vector<512x128xi1>, vector<512x128xi32>
    %slice3A_777 = vector.extract_strided_slice %dot_general3A_716 {offsets = [0, 640], sizes = [512, 128], strides = [1, 1]} : vector<512x1024xf32> to vector<512x128xf32>
    %sub3A_778 = vector.broadcast %get3A_6 : vector<512x1xf32> to vector<512x128xf32>
    %sub3A_779 = arith.subf %sub3A_778, %slice3A_777 : vector<512x128xf32>
    %slice3A_780 = vector.extract_strided_slice %get3A_8 {offsets = [7808], sizes = [128], strides = [1]} : vector<8192xf32> to vector<128xf32>
    %broadcast_in_dim3A_781 = vector.shape_cast %slice3A_780 : vector<128xf32> to vector<1x128xf32>
    %add3A_782 = vector.broadcast %broadcast_in_dim3A_781 : vector<1x128xf32> to vector<512x128xf32>
    %add3A_783 = arith.addf %sub3A_779, %add3A_782 : vector<512x128xf32>
    %lt3A_784 = arith.cmpf olt, %add3A_783, %select_n3A_773 : vector<512x128xf32>
    %select_n3A_785 = arith.select %lt3A_784, %add3A_783, %select_n3A_773 : vector<512x128xi1>, vector<512x128xf32>
    %jit3A_786 = arith.constant 61 : i32
    %broadcast_in_dim3A_787 = vector.broadcast %jit3A_786 : i32 to vector<512x128xi32>
    %select_n3A_788 = arith.select %lt3A_784, %broadcast_in_dim3A_787, %select_n3A_776 : vector<512x128xi1>, vector<512x128xi32>
    %slice3A_789 = vector.extract_strided_slice %dot_general3A_716 {offsets = [0, 768], sizes = [512, 128], strides = [1, 1]} : vector<512x1024xf32> to vector<512x128xf32>
    %sub3A_790 = vector.broadcast %get3A_6 : vector<512x1xf32> to vector<512x128xf32>
    %sub3A_791 = arith.subf %sub3A_790, %slice3A_789 : vector<512x128xf32>
    %slice3A_792 = vector.extract_strided_slice %get3A_8 {offsets = [7936], sizes = [128], strides = [1]} : vector<8192xf32> to vector<128xf32>
    %broadcast_in_dim3A_793 = vector.shape_cast %slice3A_792 : vector<128xf32> to vector<1x128xf32>
    %add3A_794 = vector.broadcast %broadcast_in_dim3A_793 : vector<1x128xf32> to vector<512x128xf32>
    %add3A_795 = arith.addf %sub3A_791, %add3A_794 : vector<512x128xf32>
    %lt3A_796 = arith.cmpf olt, %add3A_795, %select_n3A_785 : vector<512x128xf32>
    %select_n3A_797 = arith.select %lt3A_796, %add3A_795, %select_n3A_785 : vector<512x128xi1>, vector<512x128xf32>
    %jit3A_798 = arith.constant 62 : i32
    %broadcast_in_dim3A_799 = vector.broadcast %jit3A_798 : i32 to vector<512x128xi32>
    %select_n3A_800 = arith.select %lt3A_796, %broadcast_in_dim3A_799, %select_n3A_788 : vector<512x128xi1>, vector<512x128xi32>
    %slice3A_801 = vector.extract_strided_slice %dot_general3A_716 {offsets = [0, 896], sizes = [512, 128], strides = [1, 1]} : vector<512x1024xf32> to vector<512x128xf32>
    %sub3A_802 = vector.broadcast %get3A_6 : vector<512x1xf32> to vector<512x128xf32>
    %sub3A_803 = arith.subf %sub3A_802, %slice3A_801 : vector<512x128xf32>
    %slice3A_804 = vector.extract_strided_slice %get3A_8 {offsets = [8064], sizes = [128], strides = [1]} : vector<8192xf32> to vector<128xf32>
    %broadcast_in_dim3A_805 = vector.shape_cast %slice3A_804 : vector<128xf32> to vector<1x128xf32>
    %add3A_806 = vector.broadcast %broadcast_in_dim3A_805 : vector<1x128xf32> to vector<512x128xf32>
    %add3A_807 = arith.addf %sub3A_803, %add3A_806 : vector<512x128xf32>
    %lt3A_808 = arith.cmpf olt, %add3A_807, %select_n3A_797 : vector<512x128xf32>
    %select_n3A_809 = arith.select %lt3A_808, %add3A_807, %select_n3A_797 : vector<512x128xi1>, vector<512x128xf32>
    %jit3A_810 = arith.constant 63 : i32
    %broadcast_in_dim3A_811 = vector.broadcast %jit3A_810 : i32 to vector<512x128xi32>
    %select_n3A_812 = arith.select %lt3A_808, %broadcast_in_dim3A_811, %select_n3A_800 : vector<512x128xi1>, vector<512x128xi32>
    %reduce_min3A = arith.constant dense<0x7F800000> : vector<512xf32>
    %reduce_min3A_813 = vector.multi_reduction <minimumf>, %select_n3A_809, %reduce_min3A [1] : vector<512x128xf32> to vector<512xf32>
    %broadcast_in_dim3A_814 = vector.shape_cast %reduce_min3A_813 : vector<512xf32> to vector<512x1xf32>
    %iota3A = tpu.iota {dimensions = array<i32: 1>} : vector<512x128xi32>
    %mul3A = arith.constant 128 : i32
    %mul3A_815 = vector.broadcast %mul3A : i32 to vector<512x128xi32>
    %mul3A_816 = arith.muli %select_n3A_812, %mul3A_815 : vector<512x128xi32>
    %add3A_817 = arith.addi %mul3A_816, %iota3A : vector<512x128xi32>
    %eq3A_818 = vector.broadcast %broadcast_in_dim3A_814 : vector<512x1xf32> to vector<512x128xf32>
    %eq3A_819 = arith.cmpf oeq, %select_n3A_809, %eq3A_818 : vector<512x128xf32>
    %jit3A_820 = arith.constant 8192 : i32
    %broadcast_in_dim3A_821 = vector.broadcast %jit3A_820 : i32 to vector<512x128xi32>
    %select_n3A_822 = arith.select %eq3A_819, %add3A_817, %broadcast_in_dim3A_821 : vector<512x128xi1>, vector<512x128xi32>
    %reduce_min3A_823 = arith.constant dense<2147483647> : vector<512xi32>
    %reduce_min3A_824 = vector.multi_reduction <minsi>, %select_n3A_822, %reduce_min3A_823 [1] : vector<512x128xi32> to vector<512xi32>
    %swap3A = arith.constant 0 : index
    %swap3A_825 = vector.load %arg5[%swap3A] : memref<512xi32, #tpu.memory_space<vmem>>, vector<512xi32>
    tpu.vector_store %arg5[%swap3A], %reduce_min3A_824 {strides = array<i32>} : memref<512xi32, #tpu.memory_space<vmem>>, vector<512xi32>,
    %reduce_sum3A = vector.shape_cast %broadcast_in_dim3A_814 : vector<512x1xf32> to vector<1x512x1xf32>
    %reduce_sum3A_826 = arith.constant dense<0.000000e+00> : vector<1xf32>
    %reduce_sum3A_827 = vector.multi_reduction <add>, %reduce_sum3A, %reduce_sum3A_826 [1, 2] : vector<1x512x1xf32> to vector<1xf32>
    %reduce_sum3A_828 = vector.shape_cast %reduce_sum3A_827 : vector<1xf32> to vector<1x1x1xf32>
    %reduce_sum3A_829 = vector.extract %reduce_sum3A_828[0, 0, 0] : f32 from vector<1x1x1xf32>
    %eq3A_830 = arith.constant 0 : i32
    %eq3A_831 = arith.cmpi eq, %arg0, %eq3A_830 : i32
    %convert_element_type3A_832 = arith.extui %eq3A_831 : i1 to i32
    %cond3A_833 = arith.constant 0 : i32
    %cond3A_834 = arith.cmpi ne, %convert_element_type3A_832, %cond3A_833 : i32
    scf.if %cond3A_834 {
      %swap3A_844 = arith.constant 0 : index
      %swap3A_845 = arith.constant 0 : index
      %swap3A_846 = memref.load %arg8[%swap3A_844, %swap3A_845] : memref<1x1xf32, #tpu.memory_space<smem>>
      memref.store %reduce_sum3A_829, %arg8[%swap3A_844, %swap3A_845] : memref<1x1xf32, #tpu.memory_space<smem>>
    } else {
    }
    %gt3A = arith.constant 0 : i32
    %gt3A_835 = arith.cmpi sgt, %arg0, %gt3A : i32
    %convert_element_type3A_836 = arith.extui %gt3A_835 : i1 to i32
    %cond3A_837 = arith.constant 0 : i32
    %cond3A_838 = arith.cmpi ne, %convert_element_type3A_836, %cond3A_837 : i32
    scf.if %cond3A_838 {
      %get3A_844 = arith.constant 0 : index
      %get3A_845 = arith.constant 0 : index
      %get3A_846 = memref.load %arg8[%get3A_844, %get3A_845] : memref<1x1xf32, #tpu.memory_space<smem>>
      %add3A_847 = arith.addf %get3A_846, %reduce_sum3A_829 : f32
      %swap3A_848 = arith.constant 0 : index
      %swap3A_849 = arith.constant 0 : index
      %swap3A_850 = memref.load %arg8[%swap3A_848, %swap3A_849] : memref<1x1xf32, #tpu.memory_space<smem>>
      memref.store %add3A_847, %arg8[%swap3A_848, %swap3A_849] : memref<1x1xf32, #tpu.memory_space<smem>>
    } else {
    }
    %eq3A_839 = arith.constant 15 : i32
    %eq3A_840 = arith.cmpi eq, %arg0, %eq3A_839 : i32
    %convert_element_type3A_841 = arith.extui %eq3A_840 : i1 to i32
    %cond3A_842 = arith.constant 0 : i32
    %cond3A_843 = arith.cmpi ne, %convert_element_type3A_841, %cond3A_842 : i32
    scf.if %cond3A_843 {
      %get3A_844 = arith.constant 0 : index
      %get3A_845 = arith.constant 0 : index
      %get3A_846 = memref.load %arg8[%get3A_844, %get3A_845] : memref<1x1xf32, #tpu.memory_space<smem>>
      %mul3A_847 = arith.constant 9.53674316E-7 : f32
      %mul3A_848 = arith.mulf %get3A_846, %mul3A_847 : f32
      %mul3A_849 = arith.constant 2.500000e-01 : f32
      %mul3A_850 = arith.mulf %mul3A_849, %mul3A_848 : f32
      %add3A_851 = arith.addf %mul3A_848, %mul3A_850 : f32
      %swap3A_852 = arith.constant 0 : index
      %swap3A_853 = arith.constant 0 : index
      %swap3A_854 = memref.load %arg6[%swap3A_852, %swap3A_853] : memref<1x1xf32, #tpu.memory_space<smem>>
      memref.store %add3A_851, %arg6[%swap3A_852, %swap3A_853] : memref<1x1xf32, #tpu.memory_space<smem>>
    } else {
    }
    return
  }
  func.func @transform_0(%arg0: i32) -> (i32, i32) {
    %c0_i32 = arith.constant 0 : i32
    %c0_i32_0 = arith.constant 0 : i32
    return %arg0, %c0_i32 : i32, i32
  }
  func.func @transform_1(%arg0: i32) -> (i32, i32) {
    %c0_i32 = arith.constant 0 : i32
    %c0_i32_0 = arith.constant 0 : i32
    %c0_i32_1 = arith.constant 0 : i32
    return %c0_i32, %c0_i32_0 : i32, i32
  }
  func.func @transform_2(%arg0: i32) -> (i32, i32) {
    %c0_i32 = arith.constant 0 : i32
    %c0_i32_0 = arith.constant 0 : i32
    return %arg0, %c0_i32 : i32, i32
  }
  func.func @transform_3(%arg0: i32) -> i32 {
    %c0_i32 = arith.constant 0 : i32
    %c0_i32_0 = arith.constant 0 : i32
    return %c0_i32 : i32
  }
  func.func @transform_4(%arg0: i32) -> i32 {
    %c0_i32 = arith.constant 0 : i32
    return %arg0 : i32
  }
  func.func @transform_5(%arg0: i32) -> (i32, i32) {
    %c0_i32 = arith.constant 0 : i32
    %c0_i32_0 = arith.constant 0 : i32
    %c0_i32_1 = arith.constant 0 : i32
    return %c0_i32, %c0_i32_0 : i32, i32
  }
}

</mosaic_0001>

<sc_bundles>
// kernel: kernel.4.cloned.1.call-start
scs
__scs_entry_jumppad:
0x0: {  	(pc) =	sbr.rel $0x88, $3  }
0x1: {  	(tag) =	ssettag $0x0;
	lr =	simm.s32 $0x1  }
0x2: {  	[smem:$0x3F9F] =	sst lr;
	_ =	strace $0xD0000000  }
0x3: {  	_ = 	snop  }
0x4: {  	_ = 	snop  }
0x5: {  	_ = 	snop  }
0x6: {  	_ = 	snop  }
0x7: {  	_ = 	snop  }
__scs_overlays_trampoline_lowered:
0x8: {  	[smem:$0x3FAE] =	sst s0  }
0x9: {  	[smem:$0x3FAF] =	sst s1  }
0xa: {  	[smem:$0x3FB0] =	sst s2  }
0xb: {  	[smem:$0x3FB1] =	sst s3  }
0xc: {  	[smem:$0x3FB2] =	sst s4  }
0xd: {  	[smem:$0x3FB3] =	sst s5  }
0xe: {  	[smem:$0x3FB4] =	sst s6  }
0xf: {  	[smem:$0x3FB5] =	sst s7  }
0x10: {  	[smem:$0x3FB6] =	sst s8  }
0x11: {  	[smem:$0x3FB7] =	sst s9;
	s0 =	simm.s32 @!p0 $0x0  }
0x12: {  	s1 =	sld [smem:$0x3F9D];
	s0 =	simm.s32 @p0 $0x1  }
0x13: {  	[smem:$0x3FB8] =	sst s0;
	s0 =	simm.s32 @!p1 $0x0  }
0x14: {  	s2 =	sld [smem:$0x3F9C];
	s0 =	simm.s32 @p1 $0x1  }
0x15: {  	[smem:$0x3FB9] =	sst s0;
	s0 =	simm.s32 @!p2 $0x0  }
0x16: {  	s3 =	sld [smem:$0x3FDB];
	s0 =	simm.s32 @p2 $0x1  }
0x17: {  	s4 =	simm.s32 $0x1BF5;
	[smem:$0x3FBB] =	sst s0  }
0x18: {  	s0 =	sld [smem:$0x3F9E];
	_ =	swait.ge [sflag:s4], $0x0  }
0x19: {  	s7 =	sld [smem:$0x3F9F]  }
0x1a: {  	s8 =	sadd.s32 $0xFFFFE003, lr  }
0x1b: {  	s9 =	sadd.s32 $0xFFFFFEF7, lr;
	s5 =	simm.s32 $0xFFFFFFFF;
	p2 =	slt.u32 s8, $0xFFFFF086  }
0x1c: {  	p1 =	slt.u32 s9, $0xF7A;
	s5 =	simm.s32 @!p2 $0x0  }
0x1d: {  	s5 =	simm.s32 @p1 $0x1;
	p0 =	seq.s32 s7, s2  }
0x1e: {  	s7 =	smul.u32 @!p0 $0xF7A, s2;
	p2 =	seq.s32 @!p0 s5, $0x0  }
0x1f: {  	s9 =	smul.u32 $0xF7A, s1;
	s8 =	simm.s32 @!p0 $0x1BF5;
	p2 =	por !p2, p0  }
0x20: {  	[sflag:s8] =	ssyncset.s32 @!p0 $0xFFFFF086;
	s6 =	sadd.s32 @!p0 s3, s7;
	s7 =	simm.s32 @!p0 $0x108  }
0x21: {  	s3 =	sadd.s32 s3, s9;
	s6 =	sadd.s32 @!p0 $0x88, s6;
	s7 =	simm.s32 @p2 $0x1082  }
0x22: {  	[simem:s7], [sflag:s8] =	dma.local @!p0 [hbm:s6], $0xF7A  }
0x23: {  	s9 =	sor.u32 $0xD0000000, s2;
	s6 =	simm.s32 $0x108;
	_ =	swait.ge @!p0 [sflag:s8], $0x0  }
0x24: {  	s3 =	sadd.s32 $0x88, s3;
	s6 =	simm.s32 @!p1 $0x1082;
	[sflag:s4] =	ssyncset.s32 $0xFFFFF086  }
0x25: {  	[simem:s6], [sflag:s4] =	dma.local [hbm:s3], $0xF7A  }
0x26: {  	[smem:$0x3F9F] =	sst s1;
	(tag) =	ssettag s2;
	_ =	strace s9  }
0x27: {  	s1 =	sld [smem:$0x3FAF]  }
0x28: {  	s2 =	sld [smem:$0x3FB0]  }
0x29: {  	s4 =	sld [smem:$0x3FB2]  }
0x2a: {  	p0 =	seq.s32 s5, $0x0;
	s5 =	sld [smem:$0x3FB3]  }
0x2b: {  	s6 =	sld [smem:$0x3FB4]  }
0x2c: {  	s7 =	sld [smem:$0x3FB5]  }
0x2d: {  	s3 =	simm.s32 $0x108;
	s8 =	sld [smem:$0x3FB6]  }
0x2e: {  	s3 =	simm.s32 @!p0 $0x1082;
	s9 =	sld [smem:$0x3FB7]  }
0x2f: {  	lr =	sadd.s32 s0, s3;
	s0 =	sld [smem:$0x3FAE]  }
0x30: {  	s3 =	sld [smem:$0x3FB1]  }
0x31: {  	[smem:$0x3FBA] =	sst s10  }
0x32: {  	s10 =	sld [smem:$0x3FB8];
	_ =	sdelay $0x3  }
0x33: {  	p0 =	seq.s32 s10, $0x1;
	s10 =	sld [smem:$0x3FBA];
	_ =	sdelay $0x3  }
0x34: {  	[smem:$0x3FBA] =	sst s10  }
0x35: {  	s10 =	sld [smem:$0x3FB9];
	_ =	sdelay $0x3  }
0x36: {  	p1 =	seq.s32 s10, $0x1;
	s10 =	sld [smem:$0x3FBA];
	_ =	sdelay $0x3  }
0x37: {  	[smem:$0x3FBA] =	sst s10  }
0x38: {  	s10 =	sld [smem:$0x3FBB]  }
0x39: {  	_ = 	snop;
	(pc) =	sbr.ind lr, $3  }
0x3a: {  	_ = 	snop  }
0x3b: {  	_ = 	snop  }
0x3c: {  	p2 =	seq.s32 s10, $0x1;
	s10 =	sld [smem:$0x3FBA]  }
0x3d: {  	_ =	shalt  }
0x3e: {  	_ =	shalt  }
0x3f: {  	_ =	shalt  }
0x40: {  	_ =	shalt  }
0x41: {  	_ =	shalt  }
0x42: {  	_ =	shalt  }
0x43: {  	_ =	shalt  }
0x44: {  	_ =	shalt  }
0x45: {  	_ =	shalt  }
0x46: {  	_ =	shalt  }
0x47: {  	_ =	shalt  }
0x48: {  	_ =	shalt  }
0x49: {  	_ =	shalt  }
0x4a: {  	_ =	shalt  }
0x4b: {  	_ =	shalt  }
0x4c: {  	_ =	shalt  }
0x4d: {  	_ =	shalt  }
0x4e: {  	_ =	shalt  }
0x4f: {  	_ =	shalt  }
0x50: {  	_ =	shalt  }
0x51: {  	_ =	shalt  }
0x52: {  	_ =	shalt  }
0x53: {  	_ =	shalt  }
0x54: {  	_ =	shalt  }
0x55: {  	_ =	shalt  }
0x56: {  	_ =	shalt  }
0x57: {  	_ =	shalt  }
0x58: {  	_ =	shalt  }
0x59: {  	_ =	shalt  }
0x5a: {  	_ =	shalt  }
0x5b: {  	_ =	shalt  }
0x5c: {  	_ =	shalt  }
0x5d: {  	_ =	shalt  }
0x5e: {  	_ =	shalt  }
0x5f: {  	_ =	shalt  }
0x60: {  	_ =	shalt  }
0x61: {  	_ =	shalt  }
0x62: {  	_ =	shalt  }
0x63: {  	_ =	shalt  }
0x64: {  	_ =	shalt  }
0x65: {  	_ =	shalt  }
0x66: {  	_ =	shalt  }
0x67: {  	_ =	shalt  }
0x68: {  	_ =	shalt  }
0x69: {  	_ =	shalt  }
0x6a: {  	_ =	shalt  }
0x6b: {  	_ =	shalt  }
0x6c: {  	_ =	shalt  }
0x6d: {  	_ =	shalt  }
0x6e: {  	_ =	shalt  }
0x6f: {  	_ =	shalt  }
0x70: {  	_ =	shalt  }
0x71: {  	_ =	shalt  }
0x72: {  	_ =	shalt  }
0x73: {  	_ =	shalt  }
0x74: {  	_ =	shalt  }
0x75: {  	_ =	shalt  }
0x76: {  	_ =	shalt  }
0x77: {  	_ =	shalt  }
0x78: {  	_ =	shalt  }
0x79: {  	_ =	shalt  }
0x7a: {  	_ =	shalt  }
0x7b: {  	_ =	shalt  }
0x7c: {  	_ =	shalt  }
0x7d: {  	_ =	shalt  }
0x7e: {  	_ =	shalt  }
0x7f: {  	_ =	shalt  }
0x80: {  	_ =	shalt  }
0x81: {  	_ =	shalt  }
0x82: {  	_ =	shalt  }
0x83: {  	_ =	shalt  }
0x84: {  	_ =	shalt  }
0x85: {  	_ =	shalt  }
0x86: {  	_ =	shalt  }
0x87: {  	_ =	shalt  }
.Lfunc_end0:
.L_simem_size_0:
called_computation_lowered:
.L_overlay_start_0:
0x88: {  	s2 =	sld [smem:$0x3FD9]  }
0x89: {  	s3 =	sld [smem:$0x3FFE];
	_ =	sdelay $0x1  }
0x8a: {  	s1 =	srdreg.scid  }
0x8b: {  	s0 =	sand.u32 $0x1, s1  }
0x8c: {  	s14 =	sshll.u32 s0, $0xA;
	s2 =	sadd.s32 s3, s2  }
0x8d: {  	s2 =	sadd.s32 s2, s14  }
0x8e: {  	[smem:$0x3FC6] =	sst s2  }
0x8f: {  	_ = 	snop  }
0x90: {  	s2 =	sld [smem:$0x3FD0];
	_ =	sdelay $0x2  }
0x91: {  	s4 =	simm.s32 $0xA;
	s5 =	simm.s32 $0x10;
	s15 =	sld [smem:$0x3FC8]  }
0x92: {  	[smem:s5], [sflag:s4] =	dma.local [hbm:s2], $0x1  }
0x93: {  	_ =	swait.eq [sflag:s4], $0x1  }
0x94: {  	[sflag:s4] =	ssyncset.done $0x0  }
0x95: {  	[sflag:s4] =	ssyncadd.s32 $0xFFFFFFFF  }
0x96: {  	s16 =	sld [smem:$0x10];
	(tm) =	ssettm $0x1  }
0x97: {  	s17 =	sld [smem:$0x3FFB];
	_ =	sdelay $0x3  }
0x98: {  	_ =	strace s17  }
0x99: {  	s4 =	sld [smem:$0x3FFC];
	_ =	sdelay $0x3  }
0x9a: {  	_ =	strace s4  }
0x9b: {  	s4 =	sld [smem:$0x3FFD];
	_ =	sdelay $0x3  }
0x9c: {  	_ =	strace s4  }
0x9d: {  	_ =	strace $0x8FFFFFFF  }
0x9e: {  	s18 =	sld [smem:$0x3FDB];
	_ =	sdelay $0x1  }
0x9f: {  	s19 =	simm.s32 $_scs_section_size  }
0xa0: {  	s6 =	simm.s32 $_size__tile_overlayer_lowered;
	s7 =	simm.s32 $_tile_overlayer_lowered  }
0xa1: {  	s22 =	simm.s32 $0x1BFF;
	s21 =	sshll.u32 s7, $0x1;
	s4 =	sadd.s32 s19, s18  }
0xa2: {  	s8 =	simm.s32 $0x0;
	s20 =	sshll.u32 s6, $0x1;
	s6 =	sadd.s32 s21, s4  }
0xa3: {  	[timem:s8], [sflag:s22] =	dma.local [hbm:s6], s20  }
0xa4: {  	_ =	swait.ge [sflag:s22], s20  }
0xa5: {  	s5 =	ssub.s32 $0x0, s20;
	[sflag:s22] =	ssyncset.done $0x0  }
0xa6: {  	[sflag:s22] =	ssyncadd.s32 s5;
	_ =	sdelay $0x1  }
0xa7: {  	s23 =	simm.s32 $0x1B8B  }
0xa8: {  	_ =	swait.ge [sflag:s23], $0x1  }
0xa9: {  	[sflag:s23] =	ssyncset.done $0x0  }
0xaa: {  	s25 =	simm.s32 $0x1B8E;
	s24 =	sld [smem:$0x3FFE];
	[sflag:s23] =	ssyncadd.s32 $0xFFFFFFFF  }
0xab: {  	s26 =	simm.s32 $execute0_lowered;
	[smem:$0x3FD2] =	sst s25  }
0xac: {  	s6 =	sshll.u32 s26, $0x1;
	_ =	strace $0x80000046;
	[dreg:$0x1] =	wrdreg $0xFFFFFFFF  }
0xad: {  	s28 =	simm.s32 $_size_execute0_lowered;
	s4 =	sadd.s32 s4, s6;
	[dreg:$0x0] =	wrdreg $0x0  }
0xae: {  	s6 =	sshll.u32 s28, $0x1;
	[dreg:$0x2] =	wrdreg s4  }
0xaf: {  	[dreg:$0x3] =	wrdreg s6  }
0xb0: {  	[dreg:$0x4] =	wrdreg $0xC0  }
0xb1: {  	_ =	task [dreg:s8], $0x5FFFF  }
0xb2: {  	[dreg:$0x1] =	wrdreg $0xFFFFFFFF  }
0xb3: {  	[dreg:$0x0] =	wrdreg $0x60  }
0xb4: {  	[dreg:$0x2] =	wrdreg s15  }
0xb5: {  	[dreg:$0x3] =	wrdreg s24  }
0xb6: {  	[dreg:$0x4] =	wrdreg s16  }
0xb7: {  	[dreg:$0x5] =	wrdreg $0x9  }
0xb8: {  	_ =	task.clear_ibuf [dreg:s8], $0x6FFFF;
	_ =	strace $0x90000046  }
0xb9: {  	s29 =	simm.s32 $0x9;
	_ =	strace $0x80000048  }
0xba: {  	_ =	swait.ge [sflag:s29], $0x1  }
0xbb: {  	[sflag:s29] =	ssyncadd.s32 $0xFFFFFFFF  }
0xbc: {  	_ =	strace $0x90000048  }
0xbd: {  	_ =	sfence  }
0xbe: {  	s30 =	sld [smem:$0x0];
	_ =	sdelay $0x2  }
0xbf: {  	s31 =	sshll.u32 s1, $0xD;
	s1 =	sshrl.u32 s1, $0x2  }
0xc0: {  	s3 =	sand.u32 $0x4000, s31;
	s1 =	sadd.s32 s1, s30  }
0xc1: {  	s0 =	sor.u32 s3, s0;
	s1 =	sshll.u32 s1, $0x11  }
0xc2: {  	s0 =	sor.u32 s1, s0  }
0xc3: {  	s0 =	sadd.s32 $0x8F2B, s0  }
0xc4: {  	[sflag:s0] =	ssyncadd.remote.s32 $0x1  }
0xc5: {  	_ =	sfence.sel $0xFFFF  }
0xc6: {  	[dreg:$0x0] =	wrdreg $0xFFFFFFFF;
	(pc) =	sbr.abs _section_cstart, $3  }
0xc7: {  	[dreg:$0x1] =	wrdreg $0xFFFFFFFF  }
0xc8: {  	_ =	task.clear_ibuf [dreg:s8], $0x2FFFF;
	_ =	strace $0x9FFFFFFF  }
0xc9: {  	(tm) =	ssettm $0x7FFFFFFF  }
tec
execute0_lowered:
.L_overlay_start_1:
0x0: {  	(tag) =	ssettag $0x1  }
0x1: {  	s1 =	rddreg [dreg:$0x0]  }
0x2: {  	s2 =	srdreg.scid;
	s4 =	rddreg [dreg:$0x1]  }
0x3: {  	s0 =	stileid.u32;
	s6 =	rddreg [dreg:$0x2];
	s19 =	simm.s32 $0x900  }
0x4: {  	s20 =	simm.s32 $0x1100;
	s21 =	simm.s32 $0x1900;
	s23 =	simm.s32 $0x2100  }
0x5: {  	s24 =	simm.s32 $0x2900;
	s25 =	simm.s32 $0x3100;
	s26 =	simm.s32 $0x3900  }
0x6: {  	s8 =	simm.s32 $0x4900;
	s9 =	simm.s32 $0x5100;
	s10 =	simm.s32 $0x5900  }
0x7: {  	s11 =	simm.s32 $0x6100;
	s12 =	simm.s32 $0x6900;
	s13 =	simm.s32 $0x7100  }
0x8: {  	s14 =	simm.s32 $0x7900;
	s15 =	simm.s32 $0x8100;
	s2 =	sand.u32 $0x1, s2  }
0x9: {  	s16 =	simm.s32 $0x8900;
	s3 =	sshll.u32 s0, $0x9;
	s5 =	sshll.u32 s2, $0x8  }
0xa: {  	s17 =	simm.s32 $0x9100;
	s5 =	sor.u32 s5, s3;
	s3 =	simm.s32 $0x0  }
0xb: {  	s28 =	simm.s32 $0xE100;
	s29 =	simm.s32 $0xE900;
	[smem:$0x7FF] =	sst s3  }
0xc: {  	s30 =	simm.s32 $0xF100;
	_ =	strace $0x80000047;
	[dreg:$0x6] =	wrdreg s19  }
0xd: {  	s31 =	simm.s32 $0xF900;
	s2 =	ssub.s32 $0x2, s2;
	[dreg:$0x7] =	wrdreg s20  }
0xe: {  	s22 =	sshrl.u32 s2, $0x1;
	s7 =	sshrl.u32 s5, $0x3;
	[dreg:$0x8] =	wrdreg s21  }
0xf: {  	s5 =	sshll.u32 s5, $0x5;
	s2 =	ssub.s32 s2, s22;
	[dreg:$0x9] =	wrdreg s23  }
0x10: {  	s22 =	simm.s32 $0xB900;
	s4 =	sadd.s32 s7, s4;
	[dreg:$0xa] =	wrdreg s24  }
0x11: {  	s18 =	sadd.s32 s6, s5;
	s5 =	simm.s32 $0x2;
	[dreg:$0xb] =	wrdreg s25  }
0x12: {  	s6 =	simm.s32 $0x100;
	[dreg:$0xc] =	wrdreg s26;
	s19 =	simm.s32 $0xA100  }
0x13: {  	s20 =	simm.s32 $0xA900;
	s21 =	simm.s32 $0xB100;
	s23 =	simm.s32 $0xC100  }
0x14: {  	v2 =	vlaneseq.u32;
	s24 =	simm.s32 $0xC900;
	s25 =	simm.s32 $0xD100;
	s26 =	simm.s32 $0xD900  }
0x15: {  	vm0 =	vmmov $0xffff;
	v1 =	vshrl.u32 v2, $0x3;
	s4 =	sadd.s32 $0x200, s4;
	[dreg:$0x5] =	wrdreg s18;
	s18 =	simm.s32 $0x9900  }
0x16: {  	v0 =	vand.u32 $0x7, v2;
	v2 =	vor.u32 $0x8, v2;
	v1 =	vmul.u32 $0x8, v1;
	[dreg:$0x4] =	wrdreg s4;
	s4 =	smax.u32 s2, $0x1;
	s2 =	simm.s32 $0x1  }
.LBB2_1:
0x17: {  	s0 =	rddreg [dreg:$0x4]  }
0x18: {  	[tilespmem:s3], [sflag:$0x2] =	stream.linear.gather [hbm4b:s0+s3], $0x100, $0x38;
	[tilespmem:$0x10100] =	vst v63  }
0x19: {  	_ =	swait.ge [sflag:s5], $0x100  }
0x1a: {  	[sflag:s5] =	ssyncset.done $0x0  }
0x1b: {  	[sflag:s5] =	ssyncadd.s32 $0xFFFFFF00  }
0x1c: {  	v3 =	vld [tilespmem:$0x0];
	_ =	sdelay $0x4  }
0x1d: {  	v4 =	vshll.u32 v3, $0x1  }
0x1e: {  	v3 =	vand.u32 $0x7, v3;
	v4 =	vand.u32 $0xFFFFFFF0, v4  }
0x1f: {  	v3 =	vor.u32 v3, v4  }
0x20: {  	v4 =	vperm.xlane v3, v0;
	_ =	sdelay $0x1  }
0x21: {  	v3 =	vperm.xlane v3, v2;
	v4 =	vadd.s32 v1, v4;
	_ =	sdelay $0x1  }
0x22: {  	v3 =	vadd.s32 v1, v3;
	_ =	sdelay $0x2  }
0x23: {  	[tilespmem:s6], [sflag:$0x1] =	stream.indirect_vreg.gather [hbm4b:s1+s3], $0x80, v4, vm0, $0xb8;
	[tilespmem:$0x10100] =	vst v63  }
0x24: {  	s7 =	rddreg [dreg:$0x6]  }
0x25: {  	[tilespmem:s7], [sflag:$0x1] =	stream.indirect_vreg.gather [hbm4b:s1+s3], $0x80, v3, vm0, $0xb8;
	[tilespmem:$0x10100] =	vst v63  }
0x26: {  	v3 =	vld [tilespmem:$0x10];
	_ =	sdelay $0x4  }
0x27: {  	v49 =	vshll.u32 v3, $0x1  }
0x28: {  	v3 =	vand.u32 $0x7, v3;
	v4 =	vand.u32 $0xFFFFFFF0, v49  }
0x29: {  	v3 =	vor.u32 v3, v4  }
0x2a: {  	v4 =	vperm.xlane v3, v0;
	_ =	sdelay $0x1  }
0x2b: {  	v3 =	vperm.xlane v3, v2;
	v4 =	vadd.s32 v1, v4;
	_ =	sdelay $0x1  }
0x2c: {  	v3 =	vadd.s32 v1, v3;
	_ =	sdelay $0x1  }
0x2d: {  	s0 =	rddreg [dreg:$0x7]  }
0x2e: {  	[tilespmem:s0], [sflag:$0x1] =	stream.indirect_vreg.gather [hbm4b:s1+s3], $0x80, v4, vm0, $0xb8;
	[tilespmem:$0x10100] =	vst v63  }
0x2f: {  	s7 =	rddreg [dreg:$0x8]  }
0x30: {  	[tilespmem:s7], [sflag:$0x1] =	stream.indirect_vreg.gather [hbm4b:s1+s3], $0x80, v3, vm0, $0xb8;
	[tilespmem:$0x10100] =	vst v63  }
0x31: {  	v3 =	vld [tilespmem:$0x20];
	_ =	sdelay $0x4  }
0x32: {  	v50 =	vshll.u32 v3, $0x1  }
0x33: {  	v3 =	vand.u32 $0x7, v3;
	v4 =	vand.u32 $0xFFFFFFF0, v50  }
0x34: {  	v3 =	vor.u32 v3, v4  }
0x35: {  	v4 =	vperm.xlane v3, v0;
	_ =	sdelay $0x1  }
0x36: {  	v3 =	vperm.xlane v3, v2;
	v4 =	vadd.s32 v1, v4;
	_ =	sdelay $0x1  }
0x37: {  	v3 =	vadd.s32 v1, v3;
	_ =	sdelay $0x1  }
0x38: {  	s0 =	rddreg [dreg:$0x9]  }
0x39: {  	[tilespmem:s0], [sflag:$0x1] =	stream.indirect_vreg.gather [hbm4b:s1+s3], $0x80, v4, vm0, $0xb8;
	[tilespmem:$0x10100] =	vst v63  }
0x3a: {  	s7 =	rddreg [dreg:$0xa]  }
0x3b: {  	[tilespmem:s7], [sflag:$0x1] =	stream.indirect_vreg.gather [hbm4b:s1+s3], $0x80, v3, vm0, $0xb8;
	[tilespmem:$0x10100] =	vst v63  }
0x3c: {  	v3 =	vld [tilespmem:$0x30];
	_ =	sdelay $0x4  }
0x3d: {  	v51 =	vshll.u32 v3, $0x1  }
0x3e: {  	v3 =	vand.u32 $0x7, v3;
	v4 =	vand.u32 $0xFFFFFFF0, v51  }
0x3f: {  	v3 =	vor.u32 v3, v4  }
0x40: {  	v4 =	vperm.xlane v3, v0;
	_ =	sdelay $0x1  }
0x41: {  	v3 =	vperm.xlane v3, v2;
	v4 =	vadd.s32 v1, v4;
	_ =	sdelay $0x1  }
0x42: {  	v3 =	vadd.s32 v1, v3;
	_ =	sdelay $0x1  }
0x43: {  	s0 =	rddreg [dreg:$0xb]  }
0x44: {  	[tilespmem:s0], [sflag:$0x1] =	stream.indirect_vreg.gather [hbm4b:s1+s3], $0x80, v4, vm0, $0xb8;
	[tilespmem:$0x10100] =	vst v63  }
0x45: {  	s7 =	rddreg [dreg:$0xc]  }
0x46: {  	[tilespmem:s7], [sflag:$0x1] =	stream.indirect_vreg.gather [hbm4b:s1+s3], $0x80, v3, vm0, $0xb8;
	[tilespmem:$0x10100] =	vst v63  }
0x47: {  	v3 =	vld [tilespmem:$0x40];
	_ =	sdelay $0x4  }
0x48: {  	v52 =	vshll.u32 v3, $0x1  }
0x49: {  	v3 =	vand.u32 $0x7, v3;
	v4 =	vand.u32 $0xFFFFFFF0, v52  }
0x4a: {  	v3 =	vor.u32 v3, v4  }
0x4b: {  	v4 =	vperm.xlane v3, v0;
	_ =	sdelay $0x1  }
0x4c: {  	v3 =	vperm.xlane v3, v2;
	v4 =	vadd.s32 v1, v4;
	_ =	sdelay $0x1  }
0x4d: {  	v3 =	vadd.s32 v1, v3;
	_ =	sdelay $0x1  }
0x4e: {  	s7 =	simm.s32 $0x4100  }
0x4f: {  	[tilespmem:s7], [sflag:$0x1] =	stream.indirect_vreg.gather [hbm4b:s1+s3], $0x80, v4, vm0, $0xb8;
	[tilespmem:$0x10100] =	vst v63  }
0x50: {  	_ = 	snop  }
0x51: {  	[tilespmem:s8], [sflag:$0x1] =	stream.indirect_vreg.gather [hbm4b:s1+s3], $0x80, v3, vm0, $0xb8;
	[tilespmem:$0x10100] =	vst v63  }
0x52: {  	v3 =	vld [tilespmem:$0x50];
	_ =	sdelay $0x4  }
0x53: {  	v53 =	vshll.u32 v3, $0x1  }
0x54: {  	v3 =	vand.u32 $0x7, v3;
	v4 =	vand.u32 $0xFFFFFFF0, v53  }
0x55: {  	v3 =	vor.u32 v3, v4  }
0x56: {  	v4 =	vperm.xlane v3, v0;
	_ =	sdelay $0x1  }
0x57: {  	v3 =	vperm.xlane v3, v2;
	v4 =	vadd.s32 v1, v4;
	_ =	sdelay $0x1  }
0x58: {  	v3 =	vadd.s32 v1, v3;
	_ =	sdelay $0x2  }
0x59: {  	[tilespmem:s9], [sflag:$0x1] =	stream.indirect_vreg.gather [hbm4b:s1+s3], $0x80, v4, vm0, $0xb8;
	[tilespmem:$0x10100] =	vst v63  }
0x5a: {  	_ = 	snop  }
0x5b: {  	[tilespmem:s10], [sflag:$0x1] =	stream.indirect_vreg.gather [hbm4b:s1+s3], $0x80, v3, vm0, $0xb8;
	[tilespmem:$0x10100] =	vst v63  }
0x5c: {  	v3 =	vld [tilespmem:$0x60];
	_ =	sdelay $0x4  }
0x5d: {  	v54 =	vshll.u32 v3, $0x1  }
0x5e: {  	v3 =	vand.u32 $0x7, v3;
	v4 =	vand.u32 $0xFFFFFFF0, v54  }
0x5f: {  	v3 =	vor.u32 v3, v4  }
0x60: {  	v4 =	vperm.xlane v3, v0;
	_ =	sdelay $0x1  }
0x61: {  	v3 =	vperm.xlane v3, v2;
	v4 =	vadd.s32 v1, v4;
	_ =	sdelay $0x1  }
0x62: {  	v3 =	vadd.s32 v1, v3;
	_ =	sdelay $0x2  }
0x63: {  	[tilespmem:s11], [sflag:$0x1] =	stream.indirect_vreg.gather [hbm4b:s1+s3], $0x80, v4, vm0, $0xb8;
	[tilespmem:$0x10100] =	vst v63  }
0x64: {  	_ = 	snop  }
0x65: {  	[tilespmem:s12], [sflag:$0x1] =	stream.indirect_vreg.gather [hbm4b:s1+s3], $0x80, v3, vm0, $0xb8;
	[tilespmem:$0x10100] =	vst v63  }
0x66: {  	v3 =	vld [tilespmem:$0x70];
	_ =	sdelay $0x4  }
0x67: {  	v55 =	vshll.u32 v3, $0x1  }
0x68: {  	v3 =	vand.u32 $0x7, v3;
	v4 =	vand.u32 $0xFFFFFFF0, v55  }
0x69: {  	v3 =	vor.u32 v3, v4  }
0x6a: {  	v4 =	vperm.xlane v3, v0;
	_ =	sdelay $0x1  }
0x6b: {  	v3 =	vperm.xlane v3, v2;
	v4 =	vadd.s32 v1, v4;
	_ =	sdelay $0x1  }
0x6c: {  	v3 =	vadd.s32 v1, v3;
	_ =	sdelay $0x2  }
0x6d: {  	[tilespmem:s13], [sflag:$0x1] =	stream.indirect_vreg.gather [hbm4b:s1+s3], $0x80, v4, vm0, $0xb8;
	[tilespmem:$0x10100] =	vst v63  }
0x6e: {  	_ = 	snop  }
0x6f: {  	[tilespmem:s14], [sflag:$0x1] =	stream.indirect_vreg.gather [hbm4b:s1+s3], $0x80, v3, vm0, $0xb8;
	[tilespmem:$0x10100] =	vst v63  }
0x70: {  	v3 =	vld [tilespmem:$0x80];
	_ =	sdelay $0x4  }
0x71: {  	v56 =	vshll.u32 v3, $0x1  }
0x72: {  	v3 =	vand.u32 $0x7, v3;
	v4 =	vand.u32 $0xFFFFFFF0, v56  }
0x73: {  	v3 =	vor.u32 v3, v4  }
0x74: {  	v4 =	vperm.xlane v3, v0;
	_ =	sdelay $0x1  }
0x75: {  	v3 =	vperm.xlane v3, v2;
	v4 =	vadd.s32 v1, v4;
	_ =	sdelay $0x1  }
0x76: {  	v3 =	vadd.s32 v1, v3;
	_ =	sdelay $0x2  }
0x77: {  	[tilespmem:s15], [sflag:$0x1] =	stream.indirect_vreg.gather [hbm4b:s1+s3], $0x80, v4, vm0, $0xb8;
	[tilespmem:$0x10100] =	vst v63  }
0x78: {  	_ = 	snop  }
0x79: {  	[tilespmem:s16], [sflag:$0x1] =	stream.indirect_vreg.gather [hbm4b:s1+s3], $0x80, v3, vm0, $0xb8;
	[tilespmem:$0x10100] =	vst v63  }
0x7a: {  	v3 =	vld [tilespmem:$0x90];
	_ =	sdelay $0x4  }
0x7b: {  	v57 =	vshll.u32 v3, $0x1  }
0x7c: {  	v3 =	vand.u32 $0x7, v3;
	v4 =	vand.u32 $0xFFFFFFF0, v57  }
0x7d: {  	v3 =	vor.u32 v3, v4  }
0x7e: {  	v4 =	vperm.xlane v3, v0;
	_ =	sdelay $0x1  }
0x7f: {  	v3 =	vperm.xlane v3, v2;
	v4 =	vadd.s32 v1, v4;
	_ =	sdelay $0x1  }
0x80: {  	v3 =	vadd.s32 v1, v3;
	_ =	sdelay $0x2  }
0x81: {  	[tilespmem:s17], [sflag:$0x1] =	stream.indirect_vreg.gather [hbm4b:s1+s3], $0x80, v4, vm0, $0xb8;
	[tilespmem:$0x10100] =	vst v63  }
0x82: {  	_ = 	snop  }
0x83: {  	[tilespmem:s18], [sflag:$0x1] =	stream.indirect_vreg.gather [hbm4b:s1+s3], $0x80, v3, vm0, $0xb8;
	[tilespmem:$0x10100] =	vst v63  }
0x84: {  	v3 =	vld [tilespmem:$0xA0];
	_ =	sdelay $0x4  }
0x85: {  	v58 =	vshll.u32 v3, $0x1  }
0x86: {  	v3 =	vand.u32 $0x7, v3;
	v4 =	vand.u32 $0xFFFFFFF0, v58  }
0x87: {  	v3 =	vor.u32 v3, v4  }
0x88: {  	v4 =	vperm.xlane v3, v0;
	_ =	sdelay $0x1  }
0x89: {  	v3 =	vperm.xlane v3, v2;
	v4 =	vadd.s32 v1, v4;
	_ =	sdelay $0x1  }
0x8a: {  	v3 =	vadd.s32 v1, v3;
	_ =	sdelay $0x2  }
0x8b: {  	[tilespmem:s19], [sflag:$0x1] =	stream.indirect_vreg.gather [hbm4b:s1+s3], $0x80, v4, vm0, $0xb8;
	[tilespmem:$0x10100] =	vst v63  }
0x8c: {  	_ = 	snop  }
0x8d: {  	[tilespmem:s20], [sflag:$0x1] =	stream.indirect_vreg.gather [hbm4b:s1+s3], $0x80, v3, vm0, $0xb8;
	[tilespmem:$0x10100] =	vst v63  }
0x8e: {  	v3 =	vld [tilespmem:$0xB0];
	_ =	sdelay $0x4  }
0x8f: {  	v59 =	vshll.u32 v3, $0x1  }
0x90: {  	v3 =	vand.u32 $0x7, v3;
	v4 =	vand.u32 $0xFFFFFFF0, v59  }
0x91: {  	v3 =	vor.u32 v3, v4  }
0x92: {  	v4 =	vperm.xlane v3, v0;
	_ =	sdelay $0x1  }
0x93: {  	v3 =	vperm.xlane v3, v2;
	v4 =	vadd.s32 v1, v4;
	_ =	sdelay $0x1  }
0x94: {  	v3 =	vadd.s32 v1, v3;
	_ =	sdelay $0x2  }
0x95: {  	[tilespmem:s21], [sflag:$0x1] =	stream.indirect_vreg.gather [hbm4b:s1+s3], $0x80, v4, vm0, $0xb8;
	[tilespmem:$0x10100] =	vst v63  }
0x96: {  	_ = 	snop  }
0x97: {  	[tilespmem:s22], [sflag:$0x1] =	stream.indirect_vreg.gather [hbm4b:s1+s3], $0x80, v3, vm0, $0xb8;
	[tilespmem:$0x10100] =	vst v63  }
0x98: {  	v3 =	vld [tilespmem:$0xC0];
	_ =	sdelay $0x4  }
0x99: {  	v60 =	vshll.u32 v3, $0x1  }
0x9a: {  	v3 =	vand.u32 $0x7, v3;
	v4 =	vand.u32 $0xFFFFFFF0, v60  }
0x9b: {  	v3 =	vor.u32 v3, v4  }
0x9c: {  	v4 =	vperm.xlane v3, v0;
	_ =	sdelay $0x1  }
0x9d: {  	v3 =	vperm.xlane v3, v2;
	v4 =	vadd.s32 v1, v4;
	_ =	sdelay $0x1  }
0x9e: {  	v3 =	vadd.s32 v1, v3;
	_ =	sdelay $0x2  }
0x9f: {  	[tilespmem:s23], [sflag:$0x1] =	stream.indirect_vreg.gather [hbm4b:s1+s3], $0x80, v4, vm0, $0xb8;
	[tilespmem:$0x10100] =	vst v63  }
0xa0: {  	_ = 	snop  }
0xa1: {  	[tilespmem:s24], [sflag:$0x1] =	stream.indirect_vreg.gather [hbm4b:s1+s3], $0x80, v3, vm0, $0xb8;
	[tilespmem:$0x10100] =	vst v63  }
0xa2: {  	v3 =	vld [tilespmem:$0xD0];
	_ =	sdelay $0x4  }
0xa3: {  	v61 =	vshll.u32 v3, $0x1  }
0xa4: {  	v3 =	vand.u32 $0x7, v3;
	v4 =	vand.u32 $0xFFFFFFF0, v61  }
0xa5: {  	v3 =	vor.u32 v3, v4  }
0xa6: {  	v4 =	vperm.xlane v3, v0;
	_ =	sdelay $0x1  }
0xa7: {  	v3 =	vperm.xlane v3, v2;
	v4 =	vadd.s32 v1, v4;
	_ =	sdelay $0x1  }
0xa8: {  	v3 =	vadd.s32 v1, v3;
	_ =	sdelay $0x2  }
0xa9: {  	[tilespmem:s25], [sflag:$0x1] =	stream.indirect_vreg.gather [hbm4b:s1+s3], $0x80, v4, vm0, $0xb8;
	[tilespmem:$0x10100] =	vst v63  }
0xaa: {  	_ = 	snop  }
0xab: {  	[tilespmem:s26], [sflag:$0x1] =	stream.indirect_vreg.gather [hbm4b:s1+s3], $0x80, v3, vm0, $0xb8;
	[tilespmem:$0x10100] =	vst v63  }
0xac: {  	v3 =	vld [tilespmem:$0xE0];
	_ =	sdelay $0x4  }
0xad: {  	v62 =	vshll.u32 v3, $0x1  }
0xae: {  	v3 =	vand.u32 $0x7, v3;
	v4 =	vand.u32 $0xFFFFFFF0, v62  }
0xaf: {  	v3 =	vor.u32 v3, v4  }
0xb0: {  	v4 =	vperm.xlane v3, v0;
	_ =	sdelay $0x1  }
0xb1: {  	v3 =	vperm.xlane v3, v2;
	v4 =	vadd.s32 v1, v4;
	_ =	sdelay $0x1  }
0xb2: {  	v3 =	vadd.s32 v1, v3;
	_ =	sdelay $0x2  }
0xb3: {  	[tilespmem:s28], [sflag:$0x1] =	stream.indirect_vreg.gather [hbm4b:s1+s3], $0x80, v4, vm0, $0xb8;
	[tilespmem:$0x10100] =	vst v63  }
0xb4: {  	_ = 	snop  }
0xb5: {  	[tilespmem:s29], [sflag:$0x1] =	stream.indirect_vreg.gather [hbm4b:s1+s3], $0x80, v3, vm0, $0xb8;
	[tilespmem:$0x10100] =	vst v63  }
0xb6: {  	v3 =	vld [tilespmem:$0xF0];
	_ =	sdelay $0x4  }
0xb7: {  	v63 =	vshll.u32 v3, $0x1  }
0xb8: {  	v3 =	vand.u32 $0x7, v3;
	v4 =	vand.u32 $0xFFFFFFF0, v63  }
0xb9: {  	v3 =	vor.u32 v3, v4  }
0xba: {  	v4 =	vperm.xlane v3, v0;
	_ =	sdelay $0x1  }
0xbb: {  	v3 =	vperm.xlane v3, v2;
	v4 =	vadd.s32 v1, v4;
	_ =	sdelay $0x1  }
0xbc: {  	v3 =	vadd.s32 v1, v3;
	_ =	sdelay $0x2  }
0xbd: {  	[tilespmem:s30], [sflag:$0x1] =	stream.indirect_vreg.gather [hbm4b:s1+s3], $0x80, v4, vm0, $0xb8;
	[tilespmem:$0x10100] =	vst v63  }
0xbe: {  	_ = 	snop  }
0xbf: {  	[tilespmem:s31], [sflag:$0x1] =	stream.indirect_vreg.gather [hbm4b:s1+s3], $0x80, v3, vm0, $0xb8;
	[tilespmem:$0x10100] =	vst v63  }
0xc0: {  	_ =	swait.ge [sflag:s2], $0x8000  }
0xc1: {  	[sflag:s2] =	ssyncset.done $0x0  }
0xc2: {  	[sflag:s2] =	ssyncadd.s32 $0xFFFF8000  }
0xc3: {  	_ =	swait.ge [sflag:s2], $0x8000  }
0xc4: {  	p0 =	sne.s32 s4, $0x1;
	[sflag:s2] =	ssyncset.done $0x0  }
.Ltmp0:
0xc5: {  	s7 =	rddreg [dreg:$0x5];
	[sflag:s2] =	ssyncadd.s32 $0xFFFF8000;
	(pc) =	sbr.rel @p0 .LBB2_1-.Ltmp0, $4  }
0xc6: {  	[hbm4b:s7+s3] =	stream.linear.scatter [tilespmem:s6], [sflag:$0x2], $0x10000, $0x38;
	[tilespmem:$0x10100] =	vst v63  }
0xc7: {  	_ =	swait.ge [sflag:s5], $0x10000  }
0xc8: {  	[sflag:s5] =	ssyncset.done $0x0  }
0xc9: {  	s4 =	sadd.s32 $0xFFFFFFFF, s4;
	[sflag:s5] =	ssyncadd.s32 $0xFFFF0000  }
0xca: {  	_ =	sfence.sel $0x180000  }
0xcb: {  	[bflag:$0x0] =	sbarrier.arrive $0xFFFF  }
0xcc: {  	_ =	strace $0x90000047  }
0xcd: {  	s0 =	stileid.u32;
	[bflag:$0x2] =	sbarrier.arrive $0xFFFF  }
0xce: {  	p0 =	sne.s32 s0, $0x0;
	s0 =	rddreg [dreg:$0x3]  }
0xcf: {  	s0 =	sadd.s32 @!p0 $0x100000, s0  }
0xd0: {  	[sflag:s0] =	ssyncadd.tile.s32 @!p0 $0x1;
	_ =	shalt  }
.Lfunc_end2:
_tile_overlayer_lowered:
.L_overlay_start_2:
0xd1: {  	(tag) =	ssettag $0x2  }
0xd2: {  	s0 =	rddreg [dreg:$0x0];
	s2 =	stileid.u32  }
0xd3: {  	s1 =	rddreg [dreg:$0x1];
	p0 =	sne.s32 s2, $0x0  }
0xd4: {  	s3 =	rddreg [dreg:$0x2];
	[bflag:$0x3] =	sbarrier.arrive $0xFFFF;
	s2 =	simm.s32 @!p0 $0x1C02  }
0xd5: {  	[timem:s3], [sflag:s2] =	dma.local @!p0 [hbm:s0], s1  }
0xd6: {  	s0 =	simm.s32 @!p0 $0x2  }
0xd7: {  	_ =	swait.ge @!p0 [sflag:s0], s1  }
0xd8: {  	s1 =	ssub.s32 @!p0 $0x0, s1;
	[sflag:s0] =	ssyncset.done @!p0 $0x0  }
0xd9: {  	[sflag:s0] =	ssyncadd.s32 @!p0 s1  }
0xda: {  	[bflag:$0x3] =	sbarrier.arrive $0xFFFF  }
0xdb: {  	_ =	shalt  }

</sc_bundles>
